<compile_context>
chip_gen: v7x
topology: tpu7x:2x2x1
jax: 0.10.2.dev20260603
libtpu: 0.0.44.dev20260713+nightly
codegen_flags: <defaults>
</compile_context>

<pallas_src>
import functools

import numpy as np
import jax
import jax.numpy as jnp
from jax.experimental import pallas as pl
from jax.experimental.pallas import tpu as pltpu
from jax.experimental.pallas import tpu_sc as plsc

_NUM_HEADS = 4
_HEAD = 32768
_BATCH = 128
_RB = 16


def _gumbel_table() -> np.ndarray:
    n = np.arange(_BATCH * _HEAD, dtype=np.uint64)
    x0 = (n >> np.uint64(32)).astype(np.uint32)
    x1 = (n & np.uint64(0xFFFFFFFF)).astype(np.uint32)
    ks0 = np.uint32(0)
    ks1 = np.uint32(42)
    ks2 = np.uint32(ks0 ^ ks1 ^ np.uint32(0x1BD11BDA))
    ks = (ks0, ks1, ks2)
    rot = ((13, 15, 26, 6), (17, 29, 16, 24))
    x0 = (x0 + ks0).astype(np.uint32)
    x1 = (x1 + ks1).astype(np.uint32)
    for g in range(5):
        for r in rot[g % 2]:
            x0 = (x0 + x1).astype(np.uint32)
            x1 = ((x1 << np.uint32(r)) | (x1 >> np.uint32(32 - r))).astype(np.uint32)
            x1 = (x1 ^ x0).astype(np.uint32)
        x0 = (x0 + ks[(g + 1) % 3]).astype(np.uint32)
        x1 = (x1 + ks[(g + 2) % 3] + np.uint32(g + 1)).astype(np.uint32)
    bits = (x0 ^ x1).astype(np.uint32)
    tiny = np.float32(np.finfo(np.float32).tiny)
    f = ((bits >> np.uint32(9)) | np.uint32(0x3F800000)).view(np.float32)
    u = f - np.float32(1.0)
    u = np.maximum(tiny, u * (np.float32(1.0) - tiny) + tiny)
    gum = (-np.log(-np.log(u))).astype(np.float32)
    return gum.reshape(_BATCH, _HEAD)


_GUMBEL = _gumbel_table()


_CW = 512
_NC = _HEAD // _CW


def _body(x0_ref, x1_ref, x2_ref, x3_ref, g_ref, o_ref):
    x_refs = (x0_ref, x1_ref, x2_ref, x3_ref)
    neg_inf = jnp.full((_RB, _CW), -jnp.inf, jnp.float32)
    zeros = jnp.zeros((_RB, _CW), jnp.int32)

    def step(c, carry):
        ms, idxs = carry
        off = c * _CW
        gc = g_ref[:, pl.ds(off, _CW)]
        new_ms, new_idxs = [], []
        for h in range(_NUM_HEADS):
            v = x_refs[h][:, pl.ds(off, _CW)] + gc
            upd = v > ms[h]
            new_ms.append(jnp.where(upd, v, ms[h]))
            new_idxs.append(jnp.where(upd, c, idxs[h]))
        return tuple(new_ms), tuple(new_idxs)

    ms, idxs = jax.lax.fori_loop(
        0, _NC, step, ((neg_inf,) * _NUM_HEADS, (zeros,) * _NUM_HEADS))

    lane = jax.lax.broadcasted_iota(jnp.int32, (_RB, _CW), 1)
    for h in range(_NUM_HEADS):
        m = jnp.max(ms[h], axis=-1, keepdims=True)
        gidx = idxs[h] * _CW + lane
        idx = jnp.min(jnp.where(ms[h] == m, gidx, jnp.int32(_HEAD)), axis=-1)
        o_ref[0, h, :] = idx


def _kernel_tc(x):
    g = jnp.asarray(_GUMBEL)
    grid = (_BATCH // _RB,)

    def _head_spec(h):
        return pl.BlockSpec((_RB, _HEAD), lambda i, _h=h: (i, _h))

    out = pl.pallas_call(
        _body,
        grid=grid,
        in_specs=[_head_spec(0), _head_spec(1), _head_spec(2), _head_spec(3),
                  pl.BlockSpec((_RB, _HEAD), lambda i: (i, 0))],
        out_specs=pl.BlockSpec((1, _NUM_HEADS, _RB), lambda i: (i, 0, 0)),
        out_shape=jax.ShapeDtypeStruct((_BATCH // _RB, _NUM_HEADS, _RB), jnp.int32),
    )(x, x, x, x, g)
    return out.transpose(1, 0, 2).reshape(_NUM_HEADS * _BATCH)


_CH = 16384
_NCH = _HEAD // _CH
_VPC = _CH // 16
_ROWS_PER_W = 4


def _xlane(v, perm):
    return jax.lax.gather(
        v, perm[:, None],
        jax.lax.GatherDimensionNumbers(
            offset_dims=(), collapsed_slice_dims=(0,), start_index_map=(0,)),
        (1,), mode=jax.lax.GatherScatterMode.PROMISE_IN_BOUNDS)


def _sc_body(x_hbm, g_hbm, o_hbm, xb0, xb1, xb2, xb3, gb, res,
             rows_per_w=_ROWS_PER_W, row_base=0):
    wid = jax.lax.axis_index("s") * 2 + jax.lax.axis_index("c")
    xbufs = (xb0, xb1, xb2, xb3)
    iota = jax.lax.iota(jnp.int32, 16)
    acc = jnp.zeros((16,), jnp.int32)
    for ri in range(rows_per_w):
        row = row_base + wid * rows_per_w + ri
        ms = (jnp.full((16,), -jnp.inf, jnp.float32),) * _NUM_HEADS
        idxs = (jnp.zeros((16,), jnp.int32),) * _NUM_HEADS
        for c in range(_NCH):
            pltpu.sync_copy(g_hbm.at[row, pl.ds(c * _CH, _CH)], gb)
            for h in range(_NUM_HEADS):
                pltpu.sync_copy(
                    x_hbm.at[row, pl.ds(h * _HEAD + c * _CH, _CH)], xbufs[h])

            def step(i, carry, _c=c):
                cms, cidxs = carry
                gv = gb[pl.ds(i * 16, 16)]
                gi = _c * _VPC + i
                nms, nidxs = [], []
                for h in range(_NUM_HEADS):
                    v = xbufs[h][pl.ds(i * 16, 16)] + gv
                    upd = v > cms[h]
                    nms.append(jnp.where(upd, v, cms[h]))
                    nidxs.append(jnp.where(upd, gi, cidxs[h]))
                return tuple(nms), tuple(nidxs)

            ms, idxs = jax.lax.fori_loop(0, _VPC, step, (ms, idxs))
        for h in range(_NUM_HEADS):
            m = ms[h]
            for sh in (1, 2, 4, 8):
                m = jnp.maximum(m, _xlane(m, iota ^ sh))
            gidx = idxs[h] * 16 + iota
            cand = jnp.where(ms[h] == m, gidx, jnp.int32(_HEAD))
            for sh in (1, 2, 4, 8):
                cand = jnp.minimum(cand, _xlane(cand, iota ^ sh))
            acc = jnp.where(iota == (ri * _NUM_HEADS + h), cand, acc)
    res[...] = acc
    pltpu.sync_copy(res, o_hbm.at[wid])


_SC_SCRATCH = [pltpu.VMEM((_CH,), jnp.float32)] * 5 + [pltpu.VMEM((16,), jnp.int32)]
_SC_MESH = dict(core_axis_name="c", subcore_axis_name="s")


def _kernel_sc(x):
    g = jnp.asarray(_GUMBEL)
    fn = pl.kernel(
        _sc_body,
        out_type=jax.ShapeDtypeStruct((32, 16), jnp.int32),
        mesh=plsc.VectorSubcoreMesh(**_SC_MESH),
        scratch_types=_SC_SCRATCH,
    )
    out = fn(x, g)
    return out.reshape(_BATCH, _NUM_HEADS).T.reshape(_NUM_HEADS * _BATCH)


_TC_ROWS = 96


def _kernel_hybrid(x):
    g = jnp.asarray(_GUMBEL)

    def _head_spec(h):
        return pl.BlockSpec((_RB, _HEAD), lambda i, _h=h: (i, _h))

    sc_rpw = (_BATCH - _TC_ROWS) // 32
    sc_fn = pl.kernel(
        functools.partial(_sc_body, rows_per_w=sc_rpw, row_base=_TC_ROWS),
        out_type=jax.ShapeDtypeStruct((32, 16), jnp.int32),
        mesh=plsc.VectorSubcoreMesh(**_SC_MESH),
        scratch_types=_SC_SCRATCH,
    )
    sc_out = sc_fn(x, g)

    tc_out = pl.pallas_call(
        _body,
        grid=(_TC_ROWS // _RB,),
        in_specs=[_head_spec(0), _head_spec(1), _head_spec(2), _head_spec(3),
                  pl.BlockSpec((_RB, _HEAD), lambda i: (i, 0))],
        out_specs=pl.BlockSpec((1, _NUM_HEADS, _RB), lambda i: (i, 0, 0)),
        out_shape=jax.ShapeDtypeStruct((_TC_ROWS // _RB, _NUM_HEADS, _RB),
                                       jnp.int32),
    )(x, x, x, x, g)

    tc_part = tc_out.transpose(1, 0, 2).reshape(_NUM_HEADS, _TC_ROWS)
    sc_part = sc_out[:, : sc_rpw * _NUM_HEADS].reshape(
        _BATCH - _TC_ROWS, _NUM_HEADS).T
    return jnp.concatenate([tc_part, sc_part], axis=1).reshape(
        _NUM_HEADS * _BATCH)


def kernel(x):
    return _kernel_hybrid(x)

# --- scband reference (transcript-rebuilt; emitter-appended) ---
"""Pipeline reference for scband-multi-categorical-head-10728828306035 (READ-ONLY COPY).

The authoritative reference and input builder live on the scoring server;
editing this copy changes nothing except your own understanding.
"""

import jax, jax.numpy as jnp
import numpy as np

ACTION_DIMS = (32768, 32768, 32768, 32768)


def setup_inputs(seed: int = 0) -> dict:
    key = jax.random.key(seed)
    x = jax.random.normal(key, (128, sum(ACTION_DIMS)), dtype=jnp.float32)
    return {"x": x}


def reference(x):
    # MultiCategoricalHead.forward: split logits along last axis into per-action
    # logit blocks, sample a categorical from each block with the module rng,
    # and concatenate the integer samples.
    rng = jax.random.key(42)  # self.rng from __init__
    split_indices = np.cumsum(np.array(ACTION_DIMS))[:-1].tolist()
    splits = jnp.split(x, split_indices, axis=-1)
    samples = [jax.random.categorical(rng, logits=s, axis=-1) for s in splits]
    # original concatenates along default axis 0 -> flat [num_heads * batch]
    return jnp.concatenate(samples)

if __name__ == "__main__":
    import jax
    _d = setup_inputs()
    print(jax.jit(kernel)(*tuple(_d.values())))

</pallas_src>

<mosaic_0001>
#map = affine_map<(d0, d1) -> (0, 0)>
module attributes {stable_mosaic.version = 14 : i64} {
  func.func @_sc_body(%arg0: i32, %arg1: i32, %arg2: memref<128x131072xf32, #tpu.memory_space<hbm>>, %arg3: memref<128x32768xf32, #tpu.memory_space<hbm>>, %arg4: memref<32x16xi32, #tpu.memory_space<hbm>>, %arg5: memref<16384xf32, #tpu.memory_space<vmem>>, %arg6: memref<16384xf32, #tpu.memory_space<vmem>>, %arg7: memref<16384xf32, #tpu.memory_space<vmem>>, %arg8: memref<16384xf32, #tpu.memory_space<vmem>>, %arg9: memref<16384xf32, #tpu.memory_space<vmem>>, %arg10: memref<16xi32, #tpu.memory_space<vmem>>) attributes {dimension_semantics = [#tpu.dimension_semantics<core_parallel>, #tpu.dimension_semantics<subcore_parallel>], iteration_bounds = array<i64: 2, 16>, scalar_prefetch = 0 : i64, scratch_operands = 6 : i64, tpu.core_type = #tpu.core_type<sc_vector_subcore>, window_params = [{transform_indices = #map}, {transform_indices = #map}, {transform_indices = #map}]} {
    %mul3A = arith.constant 2 : i32
    %mul3A_0 = arith.muli %arg1, %mul3A : i32
    %add3A = arith.addi %mul3A_0, %arg0 : i32
    %iota3A = tpu.iota {dimensions = array<i32: 0>} : vector<16xi32>
    %broadcast_in_dim3A = arith.constant 0 : i32
    %broadcast_in_dim3A_1 = vector.broadcast %broadcast_in_dim3A : i32 to vector<16xi32>
    %mul3A_2 = arith.constant 1 : i32
    %mul3A_3 = arith.muli %add3A, %mul3A_2 : i32
    %add3A_4 = arith.constant 96 : i32
    %add3A_5 = arith.addi %add3A_4, %mul3A_3 : i32
    %add3A_6 = arith.constant 0 : i32
    %add3A_7 = arith.addi %add3A_5, %add3A_6 : i32
    %broadcast_in_dim3A_8 = arith.constant 0xFF800000 : f32
    %broadcast_in_dim3A_9 = vector.broadcast %broadcast_in_dim3A_8 : f32 to vector<16xf32>
    %broadcast_in_dim3A_10 = arith.constant 0 : i32
    %broadcast_in_dim3A_11 = vector.broadcast %broadcast_in_dim3A_10 : i32 to vector<16xi32>
    "tpu.region"() ({
      %run_scoped3A = tpu.sem_alloc : memref<!tpu.dma_semaphore, #tpu.memory_space<semaphore_mem>>
      %dma_start3A = arith.constant 0 : i32
      %dma_start3A_291 = tpu.memref_slice %arg3[%add3A_7, %dma_start3A] : memref<128x32768xf32, #tpu.memory_space<hbm>> -> memref<1x16384xf32, #tpu.memory_space<hbm>>
      %dma_start3A_292 = tpu.memref_squeeze %dma_start3A_291 : memref<1x16384xf32, #tpu.memory_space<hbm>> -> memref<16384xf32, #tpu.memory_space<hbm>>
      %dma_start3A_293 = arith.constant 0 : i32
      %dma_start3A_294 = tpu.memref_slice %arg3[%add3A_7, %dma_start3A_293] : memref<128x32768xf32, #tpu.memory_space<hbm>> -> memref<1x16384xf32, #tpu.memory_space<hbm>>
      %dma_start3A_295 = tpu.memref_squeeze %dma_start3A_294 : memref<1x16384xf32, #tpu.memory_space<hbm>> -> memref<16384xf32, #tpu.memory_space<hbm>>
      tpu.enqueue_dma source(%dma_start3A_295 : memref<16384xf32, #tpu.memory_space<hbm>>) target(%arg9 : memref<16384xf32, #tpu.memory_space<vmem>>) target_semaphore(%run_scoped3A : memref<!tpu.dma_semaphore, #tpu.memory_space<semaphore_mem>>)
      %dma_wait3A = arith.constant 0 : i32
      %dma_wait3A_296 = tpu.memref_slice %arg3[%add3A_7, %dma_wait3A] : memref<128x32768xf32, #tpu.memory_space<hbm>> -> memref<1x16384xf32, #tpu.memory_space<hbm>>
      %dma_wait3A_297 = tpu.memref_squeeze %dma_wait3A_296 : memref<1x16384xf32, #tpu.memory_space<hbm>> -> memref<16384xf32, #tpu.memory_space<hbm>>
      %dma_wait3A_298 = arith.constant 0 : i32
      %dma_wait3A_299 = tpu.memref_slice %arg3[%add3A_7, %dma_wait3A_298] : memref<128x32768xf32, #tpu.memory_space<hbm>> -> memref<1x16384xf32, #tpu.memory_space<hbm>>
      %dma_wait3A_300 = tpu.memref_squeeze %dma_wait3A_299 : memref<1x16384xf32, #tpu.memory_space<hbm>> -> memref<16384xf32, #tpu.memory_space<hbm>>
      tpu.wait_dma2 semaphore(%run_scoped3A : memref<!tpu.dma_semaphore, #tpu.memory_space<semaphore_mem>>) src(%dma_wait3A_300 : memref<16384xf32, #tpu.memory_space<hbm>>) dst(%arg9 : memref<16384xf32, #tpu.memory_space<vmem>>)
      tpu.yield
    }) : () -> ()
    "tpu.region"() ({
      %run_scoped3A = tpu.sem_alloc : memref<!tpu.dma_semaphore, #tpu.memory_space<semaphore_mem>>
      %dma_start3A = arith.constant 0 : i32
      %dma_start3A_291 = tpu.memref_slice %arg2[%add3A_7, %dma_start3A] : memref<128x131072xf32, #tpu.memory_space<hbm>> -> memref<1x16384xf32, #tpu.memory_space<hbm>>
      %dma_start3A_292 = tpu.memref_squeeze %dma_start3A_291 : memref<1x16384xf32, #tpu.memory_space<hbm>> -> memref<16384xf32, #tpu.memory_space<hbm>>
      %dma_start3A_293 = arith.constant 0 : i32
      %dma_start3A_294 = tpu.memref_slice %arg2[%add3A_7, %dma_start3A_293] : memref<128x131072xf32, #tpu.memory_space<hbm>> -> memref<1x16384xf32, #tpu.memory_space<hbm>>
      %dma_start3A_295 = tpu.memref_squeeze %dma_start3A_294 : memref<1x16384xf32, #tpu.memory_space<hbm>> -> memref<16384xf32, #tpu.memory_space<hbm>>
      tpu.enqueue_dma source(%dma_start3A_295 : memref<16384xf32, #tpu.memory_space<hbm>>) target(%arg5 : memref<16384xf32, #tpu.memory_space<vmem>>) target_semaphore(%run_scoped3A : memref<!tpu.dma_semaphore, #tpu.memory_space<semaphore_mem>>)
      %dma_wait3A = arith.constant 0 : i32
      %dma_wait3A_296 = tpu.memref_slice %arg2[%add3A_7, %dma_wait3A] : memref<128x131072xf32, #tpu.memory_space<hbm>> -> memref<1x16384xf32, #tpu.memory_space<hbm>>
      %dma_wait3A_297 = tpu.memref_squeeze %dma_wait3A_296 : memref<1x16384xf32, #tpu.memory_space<hbm>> -> memref<16384xf32, #tpu.memory_space<hbm>>
      %dma_wait3A_298 = arith.constant 0 : i32
      %dma_wait3A_299 = tpu.memref_slice %arg2[%add3A_7, %dma_wait3A_298] : memref<128x131072xf32, #tpu.memory_space<hbm>> -> memref<1x16384xf32, #tpu.memory_space<hbm>>
      %dma_wait3A_300 = tpu.memref_squeeze %dma_wait3A_299 : memref<1x16384xf32, #tpu.memory_space<hbm>> -> memref<16384xf32, #tpu.memory_space<hbm>>
      tpu.wait_dma2 semaphore(%run_scoped3A : memref<!tpu.dma_semaphore, #tpu.memory_space<semaphore_mem>>) src(%dma_wait3A_300 : memref<16384xf32, #tpu.memory_space<hbm>>) dst(%arg5 : memref<16384xf32, #tpu.memory_space<vmem>>)
      tpu.yield
    }) : () -> ()
    "tpu.region"() ({
      %run_scoped3A = tpu.sem_alloc : memref<!tpu.dma_semaphore, #tpu.memory_space<semaphore_mem>>
      %dma_start3A = arith.constant 32768 : i32
      %dma_start3A_291 = tpu.memref_slice %arg2[%add3A_7, %dma_start3A] : memref<128x131072xf32, #tpu.memory_space<hbm>> -> memref<1x16384xf32, #tpu.memory_space<hbm>>
      %dma_start3A_292 = tpu.memref_squeeze %dma_start3A_291 : memref<1x16384xf32, #tpu.memory_space<hbm>> -> memref<16384xf32, #tpu.memory_space<hbm>>
      %dma_start3A_293 = arith.constant 32768 : i32
      %dma_start3A_294 = tpu.memref_slice %arg2[%add3A_7, %dma_start3A_293] : memref<128x131072xf32, #tpu.memory_space<hbm>> -> memref<1x16384xf32, #tpu.memory_space<hbm>>
      %dma_start3A_295 = tpu.memref_squeeze %dma_start3A_294 : memref<1x16384xf32, #tpu.memory_space<hbm>> -> memref<16384xf32, #tpu.memory_space<hbm>>
      tpu.enqueue_dma source(%dma_start3A_295 : memref<16384xf32, #tpu.memory_space<hbm>>) target(%arg6 : memref<16384xf32, #tpu.memory_space<vmem>>) target_semaphore(%run_scoped3A : memref<!tpu.dma_semaphore, #tpu.memory_space<semaphore_mem>>)
      %dma_wait3A = arith.constant 32768 : i32
      %dma_wait3A_296 = tpu.memref_slice %arg2[%add3A_7, %dma_wait3A] : memref<128x131072xf32, #tpu.memory_space<hbm>> -> memref<1x16384xf32, #tpu.memory_space<hbm>>
      %dma_wait3A_297 = tpu.memref_squeeze %dma_wait3A_296 : memref<1x16384xf32, #tpu.memory_space<hbm>> -> memref<16384xf32, #tpu.memory_space<hbm>>
      %dma_wait3A_298 = arith.constant 32768 : i32
      %dma_wait3A_299 = tpu.memref_slice %arg2[%add3A_7, %dma_wait3A_298] : memref<128x131072xf32, #tpu.memory_space<hbm>> -> memref<1x16384xf32, #tpu.memory_space<hbm>>
      %dma_wait3A_300 = tpu.memref_squeeze %dma_wait3A_299 : memref<1x16384xf32, #tpu.memory_space<hbm>> -> memref<16384xf32, #tpu.memory_space<hbm>>
      tpu.wait_dma2 semaphore(%run_scoped3A : memref<!tpu.dma_semaphore, #tpu.memory_space<semaphore_mem>>) src(%dma_wait3A_300 : memref<16384xf32, #tpu.memory_space<hbm>>) dst(%arg6 : memref<16384xf32, #tpu.memory_space<vmem>>)
      tpu.yield
    }) : () -> ()
    "tpu.region"() ({
      %run_scoped3A = tpu.sem_alloc : memref<!tpu.dma_semaphore, #tpu.memory_space<semaphore_mem>>
      %dma_start3A = arith.constant 65536 : i32
      %dma_start3A_291 = tpu.memref_slice %arg2[%add3A_7, %dma_start3A] : memref<128x131072xf32, #tpu.memory_space<hbm>> -> memref<1x16384xf32, #tpu.memory_space<hbm>>
      %dma_start3A_292 = tpu.memref_squeeze %dma_start3A_291 : memref<1x16384xf32, #tpu.memory_space<hbm>> -> memref<16384xf32, #tpu.memory_space<hbm>>
      %dma_start3A_293 = arith.constant 65536 : i32
      %dma_start3A_294 = tpu.memref_slice %arg2[%add3A_7, %dma_start3A_293] : memref<128x131072xf32, #tpu.memory_space<hbm>> -> memref<1x16384xf32, #tpu.memory_space<hbm>>
      %dma_start3A_295 = tpu.memref_squeeze %dma_start3A_294 : memref<1x16384xf32, #tpu.memory_space<hbm>> -> memref<16384xf32, #tpu.memory_space<hbm>>
      tpu.enqueue_dma source(%dma_start3A_295 : memref<16384xf32, #tpu.memory_space<hbm>>) target(%arg7 : memref<16384xf32, #tpu.memory_space<vmem>>) target_semaphore(%run_scoped3A : memref<!tpu.dma_semaphore, #tpu.memory_space<semaphore_mem>>)
      %dma_wait3A = arith.constant 65536 : i32
      %dma_wait3A_296 = tpu.memref_slice %arg2[%add3A_7, %dma_wait3A] : memref<128x131072xf32, #tpu.memory_space<hbm>> -> memref<1x16384xf32, #tpu.memory_space<hbm>>
      %dma_wait3A_297 = tpu.memref_squeeze %dma_wait3A_296 : memref<1x16384xf32, #tpu.memory_space<hbm>> -> memref<16384xf32, #tpu.memory_space<hbm>>
      %dma_wait3A_298 = arith.constant 65536 : i32
      %dma_wait3A_299 = tpu.memref_slice %arg2[%add3A_7, %dma_wait3A_298] : memref<128x131072xf32, #tpu.memory_space<hbm>> -> memref<1x16384xf32, #tpu.memory_space<hbm>>
      %dma_wait3A_300 = tpu.memref_squeeze %dma_wait3A_299 : memref<1x16384xf32, #tpu.memory_space<hbm>> -> memref<16384xf32, #tpu.memory_space<hbm>>
      tpu.wait_dma2 semaphore(%run_scoped3A : memref<!tpu.dma_semaphore, #tpu.memory_space<semaphore_mem>>) src(%dma_wait3A_300 : memref<16384xf32, #tpu.memory_space<hbm>>) dst(%arg7 : memref<16384xf32, #tpu.memory_space<vmem>>)
      tpu.yield
    }) : () -> ()
    "tpu.region"() ({
      %run_scoped3A = tpu.sem_alloc : memref<!tpu.dma_semaphore, #tpu.memory_space<semaphore_mem>>
      %dma_start3A = arith.constant 98304 : i32
      %dma_start3A_291 = tpu.memref_slice %arg2[%add3A_7, %dma_start3A] : memref<128x131072xf32, #tpu.memory_space<hbm>> -> memref<1x16384xf32, #tpu.memory_space<hbm>>
      %dma_start3A_292 = tpu.memref_squeeze %dma_start3A_291 : memref<1x16384xf32, #tpu.memory_space<hbm>> -> memref<16384xf32, #tpu.memory_space<hbm>>
      %dma_start3A_293 = arith.constant 98304 : i32
      %dma_start3A_294 = tpu.memref_slice %arg2[%add3A_7, %dma_start3A_293] : memref<128x131072xf32, #tpu.memory_space<hbm>> -> memref<1x16384xf32, #tpu.memory_space<hbm>>
      %dma_start3A_295 = tpu.memref_squeeze %dma_start3A_294 : memref<1x16384xf32, #tpu.memory_space<hbm>> -> memref<16384xf32, #tpu.memory_space<hbm>>
      tpu.enqueue_dma source(%dma_start3A_295 : memref<16384xf32, #tpu.memory_space<hbm>>) target(%arg8 : memref<16384xf32, #tpu.memory_space<vmem>>) target_semaphore(%run_scoped3A : memref<!tpu.dma_semaphore, #tpu.memory_space<semaphore_mem>>)
      %dma_wait3A = arith.constant 98304 : i32
      %dma_wait3A_296 = tpu.memref_slice %arg2[%add3A_7, %dma_wait3A] : memref<128x131072xf32, #tpu.memory_space<hbm>> -> memref<1x16384xf32, #tpu.memory_space<hbm>>
      %dma_wait3A_297 = tpu.memref_squeeze %dma_wait3A_296 : memref<1x16384xf32, #tpu.memory_space<hbm>> -> memref<16384xf32, #tpu.memory_space<hbm>>
      %dma_wait3A_298 = arith.constant 98304 : i32
      %dma_wait3A_299 = tpu.memref_slice %arg2[%add3A_7, %dma_wait3A_298] : memref<128x131072xf32, #tpu.memory_space<hbm>> -> memref<1x16384xf32, #tpu.memory_space<hbm>>
      %dma_wait3A_300 = tpu.memref_squeeze %dma_wait3A_299 : memref<1x16384xf32, #tpu.memory_space<hbm>> -> memref<16384xf32, #tpu.memory_space<hbm>>
      tpu.wait_dma2 semaphore(%run_scoped3A : memref<!tpu.dma_semaphore, #tpu.memory_space<semaphore_mem>>) src(%dma_wait3A_300 : memref<16384xf32, #tpu.memory_space<hbm>>) dst(%arg8 : memref<16384xf32, #tpu.memory_space<vmem>>)
      tpu.yield
    }) : () -> ()
    %scan3A = arith.constant 0 : i32
    %scan3A_12 = arith.constant 1024 : i32
    %scan3A_13 = arith.addi %scan3A, %scan3A_12 : i32
    %scan3A_14 = arith.constant 1 : i32
    %scan3A_15:8 = scf.for %scan3A_291 = %scan3A to %scan3A_13 step %scan3A_14 iter_args(%scan3A_292 = %broadcast_in_dim3A_9, %scan3A_293 = %broadcast_in_dim3A_9, %scan3A_294 = %broadcast_in_dim3A_9, %scan3A_295 = %broadcast_in_dim3A_9, %scan3A_296 = %broadcast_in_dim3A_11, %scan3A_297 = %broadcast_in_dim3A_11, %scan3A_298 = %broadcast_in_dim3A_11, %scan3A_299 = %broadcast_in_dim3A_11) -> (vector<16xf32>, vector<16xf32>, vector<16xf32>, vector<16xf32>, vector<16xi32>, vector<16xi32>, vector<16xi32>, vector<16xi32>)  : i32 {
      %mul3A_300 = arith.constant 16 : i32
      %mul3A_301 = arith.muli %scan3A_291, %mul3A_300 : i32
      %get3A = arith.index_cast %mul3A_301 : i32 to index
      %get3A_302 = tpu.vector_load %arg9[%get3A] {strides = array<i32>} : memref<16384xf32, #tpu.memory_space<vmem>>, vector<16xf32>,
      %get3A_303 = vector.shape_cast %get3A_302 : vector<16xf32> to vector<16xf32>
      %add3A_304 = arith.constant 0 : i32
      %add3A_305 = arith.addi %add3A_304, %scan3A_291 : i32
      %mul3A_306 = arith.constant 16 : i32
      %mul3A_307 = arith.muli %scan3A_291, %mul3A_306 : i32
      %get3A_308 = arith.index_cast %mul3A_307 : i32 to index
      %get3A_309 = tpu.vector_load %arg5[%get3A_308] {strides = array<i32>} : memref<16384xf32, #tpu.memory_space<vmem>>, vector<16xf32>,
      %get3A_310 = vector.shape_cast %get3A_309 : vector<16xf32> to vector<16xf32>
      %add3A_311 = arith.addf %get3A_310, %get3A_303 : vector<16xf32>
      %gt3A = arith.cmpf ogt, %add3A_311, %scan3A_292 : vector<16xf32>
      %select_n3A_312 = arith.select %gt3A, %add3A_311, %scan3A_292 : vector<16xi1>, vector<16xf32>
      %broadcast_in_dim3A_313 = vector.broadcast %add3A_305 : i32 to vector<16xi32>
      %select_n3A_314 = arith.select %gt3A, %broadcast_in_dim3A_313, %scan3A_296 : vector<16xi1>, vector<16xi32>
      %mul3A_315 = arith.constant 16 : i32
      %mul3A_316 = arith.muli %scan3A_291, %mul3A_315 : i32
      %get3A_317 = arith.index_cast %mul3A_316 : i32 to index
      %get3A_318 = tpu.vector_load %arg6[%get3A_317] {strides = array<i32>} : memref<16384xf32, #tpu.memory_space<vmem>>, vector<16xf32>,
      %get3A_319 = vector.shape_cast %get3A_318 : vector<16xf32> to vector<16xf32>
      %add3A_320 = arith.addf %get3A_319, %get3A_303 : vector<16xf32>
      %gt3A_321 = arith.cmpf ogt, %add3A_320, %scan3A_293 : vector<16xf32>
      %select_n3A_322 = arith.select %gt3A_321, %add3A_320, %scan3A_293 : vector<16xi1>, vector<16xf32>
      %broadcast_in_dim3A_323 = vector.broadcast %add3A_305 : i32 to vector<16xi32>
      %select_n3A_324 = arith.select %gt3A_321, %broadcast_in_dim3A_323, %scan3A_297 : vector<16xi1>, vector<16xi32>
      %mul3A_325 = arith.constant 16 : i32
      %mul3A_326 = arith.muli %scan3A_291, %mul3A_325 : i32
      %get3A_327 = arith.index_cast %mul3A_326 : i32 to index
      %get3A_328 = tpu.vector_load %arg7[%get3A_327] {strides = array<i32>} : memref<16384xf32, #tpu.memory_space<vmem>>, vector<16xf32>,
      %get3A_329 = vector.shape_cast %get3A_328 : vector<16xf32> to vector<16xf32>
      %add3A_330 = arith.addf %get3A_329, %get3A_303 : vector<16xf32>
      %gt3A_331 = arith.cmpf ogt, %add3A_330, %scan3A_294 : vector<16xf32>
      %select_n3A_332 = arith.select %gt3A_331, %add3A_330, %scan3A_294 : vector<16xi1>, vector<16xf32>
      %broadcast_in_dim3A_333 = vector.broadcast %add3A_305 : i32 to vector<16xi32>
      %select_n3A_334 = arith.select %gt3A_331, %broadcast_in_dim3A_333, %scan3A_298 : vector<16xi1>, vector<16xi32>
      %mul3A_335 = arith.constant 16 : i32
      %mul3A_336 = arith.muli %scan3A_291, %mul3A_335 : i32
      %get3A_337 = arith.index_cast %mul3A_336 : i32 to index
      %get3A_338 = tpu.vector_load %arg8[%get3A_337] {strides = array<i32>} : memref<16384xf32, #tpu.memory_space<vmem>>, vector<16xf32>,
      %get3A_339 = vector.shape_cast %get3A_338 : vector<16xf32> to vector<16xf32>
      %add3A_340 = arith.addf %get3A_339, %get3A_303 : vector<16xf32>
      %gt3A_341 = arith.cmpf ogt, %add3A_340, %scan3A_295 : vector<16xf32>
      %select_n3A_342 = arith.select %gt3A_341, %add3A_340, %scan3A_295 : vector<16xi1>, vector<16xf32>
      %broadcast_in_dim3A_343 = vector.broadcast %add3A_305 : i32 to vector<16xi32>
      %select_n3A_344 = arith.select %gt3A_341, %broadcast_in_dim3A_343, %scan3A_299 : vector<16xi1>, vector<16xi32>
      scf.yield %select_n3A_312, %select_n3A_322, %select_n3A_332, %select_n3A_342, %select_n3A_314, %select_n3A_324, %select_n3A_334, %select_n3A_344 : vector<16xf32>, vector<16xf32>, vector<16xf32>, vector<16xf32>, vector<16xi32>, vector<16xi32>, vector<16xi32>, vector<16xi32>
    }
    %scan3A_16 = arith.constant 1024 : i32
    "tpu.region"() ({
      %run_scoped3A = tpu.sem_alloc : memref<!tpu.dma_semaphore, #tpu.memory_space<semaphore_mem>>
      %dma_start3A = arith.constant 16384 : i32
      %dma_start3A_291 = tpu.memref_slice %arg3[%add3A_7, %dma_start3A] : memref<128x32768xf32, #tpu.memory_space<hbm>> -> memref<1x16384xf32, #tpu.memory_space<hbm>>
      %dma_start3A_292 = tpu.memref_squeeze %dma_start3A_291 : memref<1x16384xf32, #tpu.memory_space<hbm>> -> memref<16384xf32, #tpu.memory_space<hbm>>
      %dma_start3A_293 = arith.constant 16384 : i32
      %dma_start3A_294 = tpu.memref_slice %arg3[%add3A_7, %dma_start3A_293] : memref<128x32768xf32, #tpu.memory_space<hbm>> -> memref<1x16384xf32, #tpu.memory_space<hbm>>
      %dma_start3A_295 = tpu.memref_squeeze %dma_start3A_294 : memref<1x16384xf32, #tpu.memory_space<hbm>> -> memref<16384xf32, #tpu.memory_space<hbm>>
      tpu.enqueue_dma source(%dma_start3A_295 : memref<16384xf32, #tpu.memory_space<hbm>>) target(%arg9 : memref<16384xf32, #tpu.memory_space<vmem>>) target_semaphore(%run_scoped3A : memref<!tpu.dma_semaphore, #tpu.memory_space<semaphore_mem>>)
      %dma_wait3A = arith.constant 16384 : i32
      %dma_wait3A_296 = tpu.memref_slice %arg3[%add3A_7, %dma_wait3A] : memref<128x32768xf32, #tpu.memory_space<hbm>> -> memref<1x16384xf32, #tpu.memory_space<hbm>>
      %dma_wait3A_297 = tpu.memref_squeeze %dma_wait3A_296 : memref<1x16384xf32, #tpu.memory_space<hbm>> -> memref<16384xf32, #tpu.memory_space<hbm>>
      %dma_wait3A_298 = arith.constant 16384 : i32
      %dma_wait3A_299 = tpu.memref_slice %arg3[%add3A_7, %dma_wait3A_298] : memref<128x32768xf32, #tpu.memory_space<hbm>> -> memref<1x16384xf32, #tpu.memory_space<hbm>>
      %dma_wait3A_300 = tpu.memref_squeeze %dma_wait3A_299 : memref<1x16384xf32, #tpu.memory_space<hbm>> -> memref<16384xf32, #tpu.memory_space<hbm>>
      tpu.wait_dma2 semaphore(%run_scoped3A : memref<!tpu.dma_semaphore, #tpu.memory_space<semaphore_mem>>) src(%dma_wait3A_300 : memref<16384xf32, #tpu.memory_space<hbm>>) dst(%arg9 : memref<16384xf32, #tpu.memory_space<vmem>>)
      tpu.yield
    }) : () -> ()
    "tpu.region"() ({
      %run_scoped3A = tpu.sem_alloc : memref<!tpu.dma_semaphore, #tpu.memory_space<semaphore_mem>>
      %dma_start3A = arith.constant 16384 : i32
      %dma_start3A_291 = tpu.memref_slice %arg2[%add3A_7, %dma_start3A] : memref<128x131072xf32, #tpu.memory_space<hbm>> -> memref<1x16384xf32, #tpu.memory_space<hbm>>
      %dma_start3A_292 = tpu.memref_squeeze %dma_start3A_291 : memref<1x16384xf32, #tpu.memory_space<hbm>> -> memref<16384xf32, #tpu.memory_space<hbm>>
      %dma_start3A_293 = arith.constant 16384 : i32
      %dma_start3A_294 = tpu.memref_slice %arg2[%add3A_7, %dma_start3A_293] : memref<128x131072xf32, #tpu.memory_space<hbm>> -> memref<1x16384xf32, #tpu.memory_space<hbm>>
      %dma_start3A_295 = tpu.memref_squeeze %dma_start3A_294 : memref<1x16384xf32, #tpu.memory_space<hbm>> -> memref<16384xf32, #tpu.memory_space<hbm>>
      tpu.enqueue_dma source(%dma_start3A_295 : memref<16384xf32, #tpu.memory_space<hbm>>) target(%arg5 : memref<16384xf32, #tpu.memory_space<vmem>>) target_semaphore(%run_scoped3A : memref<!tpu.dma_semaphore, #tpu.memory_space<semaphore_mem>>)
      %dma_wait3A = arith.constant 16384 : i32
      %dma_wait3A_296 = tpu.memref_slice %arg2[%add3A_7, %dma_wait3A] : memref<128x131072xf32, #tpu.memory_space<hbm>> -> memref<1x16384xf32, #tpu.memory_space<hbm>>
      %dma_wait3A_297 = tpu.memref_squeeze %dma_wait3A_296 : memref<1x16384xf32, #tpu.memory_space<hbm>> -> memref<16384xf32, #tpu.memory_space<hbm>>
      %dma_wait3A_298 = arith.constant 16384 : i32
      %dma_wait3A_299 = tpu.memref_slice %arg2[%add3A_7, %dma_wait3A_298] : memref<128x131072xf32, #tpu.memory_space<hbm>> -> memref<1x16384xf32, #tpu.memory_space<hbm>>
      %dma_wait3A_300 = tpu.memref_squeeze %dma_wait3A_299 : memref<1x16384xf32, #tpu.memory_space<hbm>> -> memref<16384xf32, #tpu.memory_space<hbm>>
      tpu.wait_dma2 semaphore(%run_scoped3A : memref<!tpu.dma_semaphore, #tpu.memory_space<semaphore_mem>>) src(%dma_wait3A_300 : memref<16384xf32, #tpu.memory_space<hbm>>) dst(%arg5 : memref<16384xf32, #tpu.memory_space<vmem>>)
      tpu.yield
    }) : () -> ()
    "tpu.region"() ({
      %run_scoped3A = tpu.sem_alloc : memref<!tpu.dma_semaphore, #tpu.memory_space<semaphore_mem>>
      %dma_start3A = arith.constant 49152 : i32
      %dma_start3A_291 = tpu.memref_slice %arg2[%add3A_7, %dma_start3A] : memref<128x131072xf32, #tpu.memory_space<hbm>> -> memref<1x16384xf32, #tpu.memory_space<hbm>>
      %dma_start3A_292 = tpu.memref_squeeze %dma_start3A_291 : memref<1x16384xf32, #tpu.memory_space<hbm>> -> memref<16384xf32, #tpu.memory_space<hbm>>
      %dma_start3A_293 = arith.constant 49152 : i32
      %dma_start3A_294 = tpu.memref_slice %arg2[%add3A_7, %dma_start3A_293] : memref<128x131072xf32, #tpu.memory_space<hbm>> -> memref<1x16384xf32, #tpu.memory_space<hbm>>
      %dma_start3A_295 = tpu.memref_squeeze %dma_start3A_294 : memref<1x16384xf32, #tpu.memory_space<hbm>> -> memref<16384xf32, #tpu.memory_space<hbm>>
      tpu.enqueue_dma source(%dma_start3A_295 : memref<16384xf32, #tpu.memory_space<hbm>>) target(%arg6 : memref<16384xf32, #tpu.memory_space<vmem>>) target_semaphore(%run_scoped3A : memref<!tpu.dma_semaphore, #tpu.memory_space<semaphore_mem>>)
      %dma_wait3A = arith.constant 49152 : i32
      %dma_wait3A_296 = tpu.memref_slice %arg2[%add3A_7, %dma_wait3A] : memref<128x131072xf32, #tpu.memory_space<hbm>> -> memref<1x16384xf32, #tpu.memory_space<hbm>>
      %dma_wait3A_297 = tpu.memref_squeeze %dma_wait3A_296 : memref<1x16384xf32, #tpu.memory_space<hbm>> -> memref<16384xf32, #tpu.memory_space<hbm>>
      %dma_wait3A_298 = arith.constant 49152 : i32
      %dma_wait3A_299 = tpu.memref_slice %arg2[%add3A_7, %dma_wait3A_298] : memref<128x131072xf32, #tpu.memory_space<hbm>> -> memref<1x16384xf32, #tpu.memory_space<hbm>>
      %dma_wait3A_300 = tpu.memref_squeeze %dma_wait3A_299 : memref<1x16384xf32, #tpu.memory_space<hbm>> -> memref<16384xf32, #tpu.memory_space<hbm>>
      tpu.wait_dma2 semaphore(%run_scoped3A : memref<!tpu.dma_semaphore, #tpu.memory_space<semaphore_mem>>) src(%dma_wait3A_300 : memref<16384xf32, #tpu.memory_space<hbm>>) dst(%arg6 : memref<16384xf32, #tpu.memory_space<vmem>>)
      tpu.yield
    }) : () -> ()
    "tpu.region"() ({
      %run_scoped3A = tpu.sem_alloc : memref<!tpu.dma_semaphore, #tpu.memory_space<semaphore_mem>>
      %dma_start3A = arith.constant 81920 : i32
      %dma_start3A_291 = tpu.memref_slice %arg2[%add3A_7, %dma_start3A] : memref<128x131072xf32, #tpu.memory_space<hbm>> -> memref<1x16384xf32, #tpu.memory_space<hbm>>
      %dma_start3A_292 = tpu.memref_squeeze %dma_start3A_291 : memref<1x16384xf32, #tpu.memory_space<hbm>> -> memref<16384xf32, #tpu.memory_space<hbm>>
      %dma_start3A_293 = arith.constant 81920 : i32
      %dma_start3A_294 = tpu.memref_slice %arg2[%add3A_7, %dma_start3A_293] : memref<128x131072xf32, #tpu.memory_space<hbm>> -> memref<1x16384xf32, #tpu.memory_space<hbm>>
      %dma_start3A_295 = tpu.memref_squeeze %dma_start3A_294 : memref<1x16384xf32, #tpu.memory_space<hbm>> -> memref<16384xf32, #tpu.memory_space<hbm>>
      tpu.enqueue_dma source(%dma_start3A_295 : memref<16384xf32, #tpu.memory_space<hbm>>) target(%arg7 : memref<16384xf32, #tpu.memory_space<vmem>>) target_semaphore(%run_scoped3A : memref<!tpu.dma_semaphore, #tpu.memory_space<semaphore_mem>>)
      %dma_wait3A = arith.constant 81920 : i32
      %dma_wait3A_296 = tpu.memref_slice %arg2[%add3A_7, %dma_wait3A] : memref<128x131072xf32, #tpu.memory_space<hbm>> -> memref<1x16384xf32, #tpu.memory_space<hbm>>
      %dma_wait3A_297 = tpu.memref_squeeze %dma_wait3A_296 : memref<1x16384xf32, #tpu.memory_space<hbm>> -> memref<16384xf32, #tpu.memory_space<hbm>>
      %dma_wait3A_298 = arith.constant 81920 : i32
      %dma_wait3A_299 = tpu.memref_slice %arg2[%add3A_7, %dma_wait3A_298] : memref<128x131072xf32, #tpu.memory_space<hbm>> -> memref<1x16384xf32, #tpu.memory_space<hbm>>
      %dma_wait3A_300 = tpu.memref_squeeze %dma_wait3A_299 : memref<1x16384xf32, #tpu.memory_space<hbm>> -> memref<16384xf32, #tpu.memory_space<hbm>>
      tpu.wait_dma2 semaphore(%run_scoped3A : memref<!tpu.dma_semaphore, #tpu.memory_space<semaphore_mem>>) src(%dma_wait3A_300 : memref<16384xf32, #tpu.memory_space<hbm>>) dst(%arg7 : memref<16384xf32, #tpu.memory_space<vmem>>)
      tpu.yield
    }) : () -> ()
    "tpu.region"() ({
      %run_scoped3A = tpu.sem_alloc : memref<!tpu.dma_semaphore, #tpu.memory_space<semaphore_mem>>
      %dma_start3A = arith.constant 114688 : i32
      %dma_start3A_291 = tpu.memref_slice %arg2[%add3A_7, %dma_start3A] : memref<128x131072xf32, #tpu.memory_space<hbm>> -> memref<1x16384xf32, #tpu.memory_space<hbm>>
      %dma_start3A_292 = tpu.memref_squeeze %dma_start3A_291 : memref<1x16384xf32, #tpu.memory_space<hbm>> -> memref<16384xf32, #tpu.memory_space<hbm>>
      %dma_start3A_293 = arith.constant 114688 : i32
      %dma_start3A_294 = tpu.memref_slice %arg2[%add3A_7, %dma_start3A_293] : memref<128x131072xf32, #tpu.memory_space<hbm>> -> memref<1x16384xf32, #tpu.memory_space<hbm>>
      %dma_start3A_295 = tpu.memref_squeeze %dma_start3A_294 : memref<1x16384xf32, #tpu.memory_space<hbm>> -> memref<16384xf32, #tpu.memory_space<hbm>>
      tpu.enqueue_dma source(%dma_start3A_295 : memref<16384xf32, #tpu.memory_space<hbm>>) target(%arg8 : memref<16384xf32, #tpu.memory_space<vmem>>) target_semaphore(%run_scoped3A : memref<!tpu.dma_semaphore, #tpu.memory_space<semaphore_mem>>)
      %dma_wait3A = arith.constant 114688 : i32
      %dma_wait3A_296 = tpu.memref_slice %arg2[%add3A_7, %dma_wait3A] : memref<128x131072xf32, #tpu.memory_space<hbm>> -> memref<1x16384xf32, #tpu.memory_space<hbm>>
      %dma_wait3A_297 = tpu.memref_squeeze %dma_wait3A_296 : memref<1x16384xf32, #tpu.memory_space<hbm>> -> memref<16384xf32, #tpu.memory_space<hbm>>
      %dma_wait3A_298 = arith.constant 114688 : i32
      %dma_wait3A_299 = tpu.memref_slice %arg2[%add3A_7, %dma_wait3A_298] : memref<128x131072xf32, #tpu.memory_space<hbm>> -> memref<1x16384xf32, #tpu.memory_space<hbm>>
      %dma_wait3A_300 = tpu.memref_squeeze %dma_wait3A_299 : memref<1x16384xf32, #tpu.memory_space<hbm>> -> memref<16384xf32, #tpu.memory_space<hbm>>
      tpu.wait_dma2 semaphore(%run_scoped3A : memref<!tpu.dma_semaphore, #tpu.memory_space<semaphore_mem>>) src(%dma_wait3A_300 : memref<16384xf32, #tpu.memory_space<hbm>>) dst(%arg8 : memref<16384xf32, #tpu.memory_space<vmem>>)
      tpu.yield
    }) : () -> ()
    %scan3A_17 = arith.constant 0 : i32
    %scan3A_18 = arith.constant 1024 : i32
    %scan3A_19 = arith.addi %scan3A_17, %scan3A_18 : i32
    %scan3A_20 = arith.constant 1 : i32
    %scan3A_21:8 = scf.for %scan3A_291 = %scan3A_17 to %scan3A_19 step %scan3A_20 iter_args(%scan3A_292 = %scan3A_15#0, %scan3A_293 = %scan3A_15#1, %scan3A_294 = %scan3A_15#2, %scan3A_295 = %scan3A_15#3, %scan3A_296 = %scan3A_15#4, %scan3A_297 = %scan3A_15#5, %scan3A_298 = %scan3A_15#6, %scan3A_299 = %scan3A_15#7) -> (vector<16xf32>, vector<16xf32>, vector<16xf32>, vector<16xf32>, vector<16xi32>, vector<16xi32>, vector<16xi32>, vector<16xi32>)  : i32 {
      %mul3A_300 = arith.constant 16 : i32
      %mul3A_301 = arith.muli %scan3A_291, %mul3A_300 : i32
      %get3A = arith.index_cast %mul3A_301 : i32 to index
      %get3A_302 = tpu.vector_load %arg9[%get3A] {strides = array<i32>} : memref<16384xf32, #tpu.memory_space<vmem>>, vector<16xf32>,
      %get3A_303 = vector.shape_cast %get3A_302 : vector<16xf32> to vector<16xf32>
      %add3A_304 = arith.constant 1024 : i32
      %add3A_305 = arith.addi %add3A_304, %scan3A_291 : i32
      %mul3A_306 = arith.constant 16 : i32
      %mul3A_307 = arith.muli %scan3A_291, %mul3A_306 : i32
      %get3A_308 = arith.index_cast %mul3A_307 : i32 to index
      %get3A_309 = tpu.vector_load %arg5[%get3A_308] {strides = array<i32>} : memref<16384xf32, #tpu.memory_space<vmem>>, vector<16xf32>,
      %get3A_310 = vector.shape_cast %get3A_309 : vector<16xf32> to vector<16xf32>
      %add3A_311 = arith.addf %get3A_310, %get3A_303 : vector<16xf32>
      %gt3A = arith.cmpf ogt, %add3A_311, %scan3A_292 : vector<16xf32>
      %select_n3A_312 = arith.select %gt3A, %add3A_311, %scan3A_292 : vector<16xi1>, vector<16xf32>
      %broadcast_in_dim3A_313 = vector.broadcast %add3A_305 : i32 to vector<16xi32>
      %select_n3A_314 = arith.select %gt3A, %broadcast_in_dim3A_313, %scan3A_296 : vector<16xi1>, vector<16xi32>
      %mul3A_315 = arith.constant 16 : i32
      %mul3A_316 = arith.muli %scan3A_291, %mul3A_315 : i32
      %get3A_317 = arith.index_cast %mul3A_316 : i32 to index
      %get3A_318 = tpu.vector_load %arg6[%get3A_317] {strides = array<i32>} : memref<16384xf32, #tpu.memory_space<vmem>>, vector<16xf32>,
      %get3A_319 = vector.shape_cast %get3A_318 : vector<16xf32> to vector<16xf32>
      %add3A_320 = arith.addf %get3A_319, %get3A_303 : vector<16xf32>
      %gt3A_321 = arith.cmpf ogt, %add3A_320, %scan3A_293 : vector<16xf32>
      %select_n3A_322 = arith.select %gt3A_321, %add3A_320, %scan3A_293 : vector<16xi1>, vector<16xf32>
      %broadcast_in_dim3A_323 = vector.broadcast %add3A_305 : i32 to vector<16xi32>
      %select_n3A_324 = arith.select %gt3A_321, %broadcast_in_dim3A_323, %scan3A_297 : vector<16xi1>, vector<16xi32>
      %mul3A_325 = arith.constant 16 : i32
      %mul3A_326 = arith.muli %scan3A_291, %mul3A_325 : i32
      %get3A_327 = arith.index_cast %mul3A_326 : i32 to index
      %get3A_328 = tpu.vector_load %arg7[%get3A_327] {strides = array<i32>} : memref<16384xf32, #tpu.memory_space<vmem>>, vector<16xf32>,
      %get3A_329 = vector.shape_cast %get3A_328 : vector<16xf32> to vector<16xf32>
      %add3A_330 = arith.addf %get3A_329, %get3A_303 : vector<16xf32>
      %gt3A_331 = arith.cmpf ogt, %add3A_330, %scan3A_294 : vector<16xf32>
      %select_n3A_332 = arith.select %gt3A_331, %add3A_330, %scan3A_294 : vector<16xi1>, vector<16xf32>
      %broadcast_in_dim3A_333 = vector.broadcast %add3A_305 : i32 to vector<16xi32>
      %select_n3A_334 = arith.select %gt3A_331, %broadcast_in_dim3A_333, %scan3A_298 : vector<16xi1>, vector<16xi32>
      %mul3A_335 = arith.constant 16 : i32
      %mul3A_336 = arith.muli %scan3A_291, %mul3A_335 : i32
      %get3A_337 = arith.index_cast %mul3A_336 : i32 to index
      %get3A_338 = tpu.vector_load %arg8[%get3A_337] {strides = array<i32>} : memref<16384xf32, #tpu.memory_space<vmem>>, vector<16xf32>,
      %get3A_339 = vector.shape_cast %get3A_338 : vector<16xf32> to vector<16xf32>
      %add3A_340 = arith.addf %get3A_339, %get3A_303 : vector<16xf32>
      %gt3A_341 = arith.cmpf ogt, %add3A_340, %scan3A_295 : vector<16xf32>
      %select_n3A_342 = arith.select %gt3A_341, %add3A_340, %scan3A_295 : vector<16xi1>, vector<16xf32>
      %broadcast_in_dim3A_343 = vector.broadcast %add3A_305 : i32 to vector<16xi32>
      %select_n3A_344 = arith.select %gt3A_341, %broadcast_in_dim3A_343, %scan3A_299 : vector<16xi1>, vector<16xi32>
      scf.yield %select_n3A_312, %select_n3A_322, %select_n3A_332, %select_n3A_342, %select_n3A_314, %select_n3A_324, %select_n3A_334, %select_n3A_344 : vector<16xf32>, vector<16xf32>, vector<16xf32>, vector<16xf32>, vector<16xi32>, vector<16xi32>, vector<16xi32>, vector<16xi32>
    }
    %scan3A_22 = arith.constant 1024 : i32
    %xor3A = arith.constant 1 : i32
    %xor3A_23 = vector.broadcast %xor3A : i32 to vector<16xi32>
    %xor3A_24 = arith.xori %iota3A, %xor3A_23 : vector<16xi32>
    %broadcast_in_dim3A_25 = vector.shape_cast %xor3A_24 : vector<16xi32> to vector<16x1xi32>
    %gather3A = vector.shape_cast %broadcast_in_dim3A_25 : vector<16x1xi32> to vector<16xi32>
    %gather3A_26 = tpu.dynamic_gather %scan3A_21#0[%gather3A] in [0] : vector<16xf32>, vector<16xi32> -> vector<16xf32>
    %max3A = arith.maximumf %scan3A_21#0, %gather3A_26 : vector<16xf32>
    %xor3A_27 = arith.constant 2 : i32
    %xor3A_28 = vector.broadcast %xor3A_27 : i32 to vector<16xi32>
    %xor3A_29 = arith.xori %iota3A, %xor3A_28 : vector<16xi32>
    %broadcast_in_dim3A_30 = vector.shape_cast %xor3A_29 : vector<16xi32> to vector<16x1xi32>
    %gather3A_31 = vector.shape_cast %broadcast_in_dim3A_30 : vector<16x1xi32> to vector<16xi32>
    %gather3A_32 = tpu.dynamic_gather %max3A[%gather3A_31] in [0] : vector<16xf32>, vector<16xi32> -> vector<16xf32>
    %max3A_33 = arith.maximumf %max3A, %gather3A_32 : vector<16xf32>
    %xor3A_34 = arith.constant 4 : i32
    %xor3A_35 = vector.broadcast %xor3A_34 : i32 to vector<16xi32>
    %xor3A_36 = arith.xori %iota3A, %xor3A_35 : vector<16xi32>
    %broadcast_in_dim3A_37 = vector.shape_cast %xor3A_36 : vector<16xi32> to vector<16x1xi32>
    %gather3A_38 = vector.shape_cast %broadcast_in_dim3A_37 : vector<16x1xi32> to vector<16xi32>
    %gather3A_39 = tpu.dynamic_gather %max3A_33[%gather3A_38] in [0] : vector<16xf32>, vector<16xi32> -> vector<16xf32>
    %max3A_40 = arith.maximumf %max3A_33, %gather3A_39 : vector<16xf32>
    %xor3A_41 = arith.constant 8 : i32
    %xor3A_42 = vector.broadcast %xor3A_41 : i32 to vector<16xi32>
    %xor3A_43 = arith.xori %iota3A, %xor3A_42 : vector<16xi32>
    %broadcast_in_dim3A_44 = vector.shape_cast %xor3A_43 : vector<16xi32> to vector<16x1xi32>
    %gather3A_45 = vector.shape_cast %broadcast_in_dim3A_44 : vector<16x1xi32> to vector<16xi32>
    %gather3A_46 = tpu.dynamic_gather %max3A_40[%gather3A_45] in [0] : vector<16xf32>, vector<16xi32> -> vector<16xf32>
    %max3A_47 = arith.maximumf %max3A_40, %gather3A_46 : vector<16xf32>
    %mul3A_48 = arith.constant 16 : i32
    %mul3A_49 = vector.broadcast %mul3A_48 : i32 to vector<16xi32>
    %mul3A_50 = arith.muli %scan3A_21#4, %mul3A_49 : vector<16xi32>
    %add3A_51 = arith.addi %mul3A_50, %iota3A : vector<16xi32>
    %eq3A = arith.cmpf oeq, %scan3A_21#0, %max3A_47 : vector<16xf32>
    %jit3A = arith.constant 32768 : i32
    %broadcast_in_dim3A_52 = vector.broadcast %jit3A : i32 to vector<16xi32>
    %select_n3A = arith.select %eq3A, %add3A_51, %broadcast_in_dim3A_52 : vector<16xi1>, vector<16xi32>
    %xor3A_53 = arith.constant 1 : i32
    %xor3A_54 = vector.broadcast %xor3A_53 : i32 to vector<16xi32>
    %xor3A_55 = arith.xori %iota3A, %xor3A_54 : vector<16xi32>
    %broadcast_in_dim3A_56 = vector.shape_cast %xor3A_55 : vector<16xi32> to vector<16x1xi32>
    %gather3A_57 = vector.shape_cast %broadcast_in_dim3A_56 : vector<16x1xi32> to vector<16xi32>
    %gather3A_58 = tpu.dynamic_gather %select_n3A[%gather3A_57] in [0] : vector<16xi32>, vector<16xi32> -> vector<16xi32>
    %min3A = arith.minsi %select_n3A, %gather3A_58 : vector<16xi32>
    %xor3A_59 = arith.constant 2 : i32
    %xor3A_60 = vector.broadcast %xor3A_59 : i32 to vector<16xi32>
    %xor3A_61 = arith.xori %iota3A, %xor3A_60 : vector<16xi32>
    %broadcast_in_dim3A_62 = vector.shape_cast %xor3A_61 : vector<16xi32> to vector<16x1xi32>
    %gather3A_63 = vector.shape_cast %broadcast_in_dim3A_62 : vector<16x1xi32> to vector<16xi32>
    %gather3A_64 = tpu.dynamic_gather %min3A[%gather3A_63] in [0] : vector<16xi32>, vector<16xi32> -> vector<16xi32>
    %min3A_65 = arith.minsi %min3A, %gather3A_64 : vector<16xi32>
    %xor3A_66 = arith.constant 4 : i32
    %xor3A_67 = vector.broadcast %xor3A_66 : i32 to vector<16xi32>
    %xor3A_68 = arith.xori %iota3A, %xor3A_67 : vector<16xi32>
    %broadcast_in_dim3A_69 = vector.shape_cast %xor3A_68 : vector<16xi32> to vector<16x1xi32>
    %gather3A_70 = vector.shape_cast %broadcast_in_dim3A_69 : vector<16x1xi32> to vector<16xi32>
    %gather3A_71 = tpu.dynamic_gather %min3A_65[%gather3A_70] in [0] : vector<16xi32>, vector<16xi32> -> vector<16xi32>
    %min3A_72 = arith.minsi %min3A_65, %gather3A_71 : vector<16xi32>
    %xor3A_73 = arith.constant 8 : i32
    %xor3A_74 = vector.broadcast %xor3A_73 : i32 to vector<16xi32>
    %xor3A_75 = arith.xori %iota3A, %xor3A_74 : vector<16xi32>
    %broadcast_in_dim3A_76 = vector.shape_cast %xor3A_75 : vector<16xi32> to vector<16x1xi32>
    %gather3A_77 = vector.shape_cast %broadcast_in_dim3A_76 : vector<16x1xi32> to vector<16xi32>
    %gather3A_78 = tpu.dynamic_gather %min3A_72[%gather3A_77] in [0] : vector<16xi32>, vector<16xi32> -> vector<16xi32>
    %min3A_79 = arith.minsi %min3A_72, %gather3A_78 : vector<16xi32>
    %eq3A_80 = arith.constant 0 : i32
    %eq3A_81 = vector.broadcast %eq3A_80 : i32 to vector<16xi32>
    %eq3A_82 = arith.cmpi eq, %iota3A, %eq3A_81 : vector<16xi32>
    %select_n3A_83 = arith.select %eq3A_82, %min3A_79, %broadcast_in_dim3A_1 : vector<16xi1>, vector<16xi32>
    %xor3A_84 = arith.constant 1 : i32
    %xor3A_85 = vector.broadcast %xor3A_84 : i32 to vector<16xi32>
    %xor3A_86 = arith.xori %iota3A, %xor3A_85 : vector<16xi32>
    %broadcast_in_dim3A_87 = vector.shape_cast %xor3A_86 : vector<16xi32> to vector<16x1xi32>
    %gather3A_88 = vector.shape_cast %broadcast_in_dim3A_87 : vector<16x1xi32> to vector<16xi32>
    %gather3A_89 = tpu.dynamic_gather %scan3A_21#1[%gather3A_88] in [0] : vector<16xf32>, vector<16xi32> -> vector<16xf32>
    %max3A_90 = arith.maximumf %scan3A_21#1, %gather3A_89 : vector<16xf32>
    %xor3A_91 = arith.constant 2 : i32
    %xor3A_92 = vector.broadcast %xor3A_91 : i32 to vector<16xi32>
    %xor3A_93 = arith.xori %iota3A, %xor3A_92 : vector<16xi32>
    %broadcast_in_dim3A_94 = vector.shape_cast %xor3A_93 : vector<16xi32> to vector<16x1xi32>
    %gather3A_95 = vector.shape_cast %broadcast_in_dim3A_94 : vector<16x1xi32> to vector<16xi32>
    %gather3A_96 = tpu.dynamic_gather %max3A_90[%gather3A_95] in [0] : vector<16xf32>, vector<16xi32> -> vector<16xf32>
    %max3A_97 = arith.maximumf %max3A_90, %gather3A_96 : vector<16xf32>
    %xor3A_98 = arith.constant 4 : i32
    %xor3A_99 = vector.broadcast %xor3A_98 : i32 to vector<16xi32>
    %xor3A_100 = arith.xori %iota3A, %xor3A_99 : vector<16xi32>
    %broadcast_in_dim3A_101 = vector.shape_cast %xor3A_100 : vector<16xi32> to vector<16x1xi32>
    %gather3A_102 = vector.shape_cast %broadcast_in_dim3A_101 : vector<16x1xi32> to vector<16xi32>
    %gather3A_103 = tpu.dynamic_gather %max3A_97[%gather3A_102] in [0] : vector<16xf32>, vector<16xi32> -> vector<16xf32>
    %max3A_104 = arith.maximumf %max3A_97, %gather3A_103 : vector<16xf32>
    %xor3A_105 = arith.constant 8 : i32
    %xor3A_106 = vector.broadcast %xor3A_105 : i32 to vector<16xi32>
    %xor3A_107 = arith.xori %iota3A, %xor3A_106 : vector<16xi32>
    %broadcast_in_dim3A_108 = vector.shape_cast %xor3A_107 : vector<16xi32> to vector<16x1xi32>
    %gather3A_109 = vector.shape_cast %broadcast_in_dim3A_108 : vector<16x1xi32> to vector<16xi32>
    %gather3A_110 = tpu.dynamic_gather %max3A_104[%gather3A_109] in [0] : vector<16xf32>, vector<16xi32> -> vector<16xf32>
    %max3A_111 = arith.maximumf %max3A_104, %gather3A_110 : vector<16xf32>
    %mul3A_112 = arith.constant 16 : i32
    %mul3A_113 = vector.broadcast %mul3A_112 : i32 to vector<16xi32>
    %mul3A_114 = arith.muli %scan3A_21#5, %mul3A_113 : vector<16xi32>
    %add3A_115 = arith.addi %mul3A_114, %iota3A : vector<16xi32>
    %eq3A_116 = arith.cmpf oeq, %scan3A_21#1, %max3A_111 : vector<16xf32>
    %jit3A_117 = arith.constant 32768 : i32
    %broadcast_in_dim3A_118 = vector.broadcast %jit3A_117 : i32 to vector<16xi32>
    %select_n3A_119 = arith.select %eq3A_116, %add3A_115, %broadcast_in_dim3A_118 : vector<16xi1>, vector<16xi32>
    %xor3A_120 = arith.constant 1 : i32
    %xor3A_121 = vector.broadcast %xor3A_120 : i32 to vector<16xi32>
    %xor3A_122 = arith.xori %iota3A, %xor3A_121 : vector<16xi32>
    %broadcast_in_dim3A_123 = vector.shape_cast %xor3A_122 : vector<16xi32> to vector<16x1xi32>
    %gather3A_124 = vector.shape_cast %broadcast_in_dim3A_123 : vector<16x1xi32> to vector<16xi32>
    %gather3A_125 = tpu.dynamic_gather %select_n3A_119[%gather3A_124] in [0] : vector<16xi32>, vector<16xi32> -> vector<16xi32>
    %min3A_126 = arith.minsi %select_n3A_119, %gather3A_125 : vector<16xi32>
    %xor3A_127 = arith.constant 2 : i32
    %xor3A_128 = vector.broadcast %xor3A_127 : i32 to vector<16xi32>
    %xor3A_129 = arith.xori %iota3A, %xor3A_128 : vector<16xi32>
    %broadcast_in_dim3A_130 = vector.shape_cast %xor3A_129 : vector<16xi32> to vector<16x1xi32>
    %gather3A_131 = vector.shape_cast %broadcast_in_dim3A_130 : vector<16x1xi32> to vector<16xi32>
    %gather3A_132 = tpu.dynamic_gather %min3A_126[%gather3A_131] in [0] : vector<16xi32>, vector<16xi32> -> vector<16xi32>
    %min3A_133 = arith.minsi %min3A_126, %gather3A_132 : vector<16xi32>
    %xor3A_134 = arith.constant 4 : i32
    %xor3A_135 = vector.broadcast %xor3A_134 : i32 to vector<16xi32>
    %xor3A_136 = arith.xori %iota3A, %xor3A_135 : vector<16xi32>
    %broadcast_in_dim3A_137 = vector.shape_cast %xor3A_136 : vector<16xi32> to vector<16x1xi32>
    %gather3A_138 = vector.shape_cast %broadcast_in_dim3A_137 : vector<16x1xi32> to vector<16xi32>
    %gather3A_139 = tpu.dynamic_gather %min3A_133[%gather3A_138] in [0] : vector<16xi32>, vector<16xi32> -> vector<16xi32>
    %min3A_140 = arith.minsi %min3A_133, %gather3A_139 : vector<16xi32>
    %xor3A_141 = arith.constant 8 : i32
    %xor3A_142 = vector.broadcast %xor3A_141 : i32 to vector<16xi32>
    %xor3A_143 = arith.xori %iota3A, %xor3A_142 : vector<16xi32>
    %broadcast_in_dim3A_144 = vector.shape_cast %xor3A_143 : vector<16xi32> to vector<16x1xi32>
    %gather3A_145 = vector.shape_cast %broadcast_in_dim3A_144 : vector<16x1xi32> to vector<16xi32>
    %gather3A_146 = tpu.dynamic_gather %min3A_140[%gather3A_145] in [0] : vector<16xi32>, vector<16xi32> -> vector<16xi32>
    %min3A_147 = arith.minsi %min3A_140, %gather3A_146 : vector<16xi32>
    %eq3A_148 = arith.constant 1 : i32
    %eq3A_149 = vector.broadcast %eq3A_148 : i32 to vector<16xi32>
    %eq3A_150 = arith.cmpi eq, %iota3A, %eq3A_149 : vector<16xi32>
    %select_n3A_151 = arith.select %eq3A_150, %min3A_147, %select_n3A_83 : vector<16xi1>, vector<16xi32>
    %xor3A_152 = arith.constant 1 : i32
    %xor3A_153 = vector.broadcast %xor3A_152 : i32 to vector<16xi32>
    %xor3A_154 = arith.xori %iota3A, %xor3A_153 : vector<16xi32>
    %broadcast_in_dim3A_155 = vector.shape_cast %xor3A_154 : vector<16xi32> to vector<16x1xi32>
    %gather3A_156 = vector.shape_cast %broadcast_in_dim3A_155 : vector<16x1xi32> to vector<16xi32>
    %gather3A_157 = tpu.dynamic_gather %scan3A_21#2[%gather3A_156] in [0] : vector<16xf32>, vector<16xi32> -> vector<16xf32>
    %max3A_158 = arith.maximumf %scan3A_21#2, %gather3A_157 : vector<16xf32>
    %xor3A_159 = arith.constant 2 : i32
    %xor3A_160 = vector.broadcast %xor3A_159 : i32 to vector<16xi32>
    %xor3A_161 = arith.xori %iota3A, %xor3A_160 : vector<16xi32>
    %broadcast_in_dim3A_162 = vector.shape_cast %xor3A_161 : vector<16xi32> to vector<16x1xi32>
    %gather3A_163 = vector.shape_cast %broadcast_in_dim3A_162 : vector<16x1xi32> to vector<16xi32>
    %gather3A_164 = tpu.dynamic_gather %max3A_158[%gather3A_163] in [0] : vector<16xf32>, vector<16xi32> -> vector<16xf32>
    %max3A_165 = arith.maximumf %max3A_158, %gather3A_164 : vector<16xf32>
    %xor3A_166 = arith.constant 4 : i32
    %xor3A_167 = vector.broadcast %xor3A_166 : i32 to vector<16xi32>
    %xor3A_168 = arith.xori %iota3A, %xor3A_167 : vector<16xi32>
    %broadcast_in_dim3A_169 = vector.shape_cast %xor3A_168 : vector<16xi32> to vector<16x1xi32>
    %gather3A_170 = vector.shape_cast %broadcast_in_dim3A_169 : vector<16x1xi32> to vector<16xi32>
    %gather3A_171 = tpu.dynamic_gather %max3A_165[%gather3A_170] in [0] : vector<16xf32>, vector<16xi32> -> vector<16xf32>
    %max3A_172 = arith.maximumf %max3A_165, %gather3A_171 : vector<16xf32>
    %xor3A_173 = arith.constant 8 : i32
    %xor3A_174 = vector.broadcast %xor3A_173 : i32 to vector<16xi32>
    %xor3A_175 = arith.xori %iota3A, %xor3A_174 : vector<16xi32>
    %broadcast_in_dim3A_176 = vector.shape_cast %xor3A_175 : vector<16xi32> to vector<16x1xi32>
    %gather3A_177 = vector.shape_cast %broadcast_in_dim3A_176 : vector<16x1xi32> to vector<16xi32>
    %gather3A_178 = tpu.dynamic_gather %max3A_172[%gather3A_177] in [0] : vector<16xf32>, vector<16xi32> -> vector<16xf32>
    %max3A_179 = arith.maximumf %max3A_172, %gather3A_178 : vector<16xf32>
    %mul3A_180 = arith.constant 16 : i32
    %mul3A_181 = vector.broadcast %mul3A_180 : i32 to vector<16xi32>
    %mul3A_182 = arith.muli %scan3A_21#6, %mul3A_181 : vector<16xi32>
    %add3A_183 = arith.addi %mul3A_182, %iota3A : vector<16xi32>
    %eq3A_184 = arith.cmpf oeq, %scan3A_21#2, %max3A_179 : vector<16xf32>
    %jit3A_185 = arith.constant 32768 : i32
    %broadcast_in_dim3A_186 = vector.broadcast %jit3A_185 : i32 to vector<16xi32>
    %select_n3A_187 = arith.select %eq3A_184, %add3A_183, %broadcast_in_dim3A_186 : vector<16xi1>, vector<16xi32>
    %xor3A_188 = arith.constant 1 : i32
    %xor3A_189 = vector.broadcast %xor3A_188 : i32 to vector<16xi32>
    %xor3A_190 = arith.xori %iota3A, %xor3A_189 : vector<16xi32>
    %broadcast_in_dim3A_191 = vector.shape_cast %xor3A_190 : vector<16xi32> to vector<16x1xi32>
    %gather3A_192 = vector.shape_cast %broadcast_in_dim3A_191 : vector<16x1xi32> to vector<16xi32>
    %gather3A_193 = tpu.dynamic_gather %select_n3A_187[%gather3A_192] in [0] : vector<16xi32>, vector<16xi32> -> vector<16xi32>
    %min3A_194 = arith.minsi %select_n3A_187, %gather3A_193 : vector<16xi32>
    %xor3A_195 = arith.constant 2 : i32
    %xor3A_196 = vector.broadcast %xor3A_195 : i32 to vector<16xi32>
    %xor3A_197 = arith.xori %iota3A, %xor3A_196 : vector<16xi32>
    %broadcast_in_dim3A_198 = vector.shape_cast %xor3A_197 : vector<16xi32> to vector<16x1xi32>
    %gather3A_199 = vector.shape_cast %broadcast_in_dim3A_198 : vector<16x1xi32> to vector<16xi32>
    %gather3A_200 = tpu.dynamic_gather %min3A_194[%gather3A_199] in [0] : vector<16xi32>, vector<16xi32> -> vector<16xi32>
    %min3A_201 = arith.minsi %min3A_194, %gather3A_200 : vector<16xi32>
    %xor3A_202 = arith.constant 4 : i32
    %xor3A_203 = vector.broadcast %xor3A_202 : i32 to vector<16xi32>
    %xor3A_204 = arith.xori %iota3A, %xor3A_203 : vector<16xi32>
    %broadcast_in_dim3A_205 = vector.shape_cast %xor3A_204 : vector<16xi32> to vector<16x1xi32>
    %gather3A_206 = vector.shape_cast %broadcast_in_dim3A_205 : vector<16x1xi32> to vector<16xi32>
    %gather3A_207 = tpu.dynamic_gather %min3A_201[%gather3A_206] in [0] : vector<16xi32>, vector<16xi32> -> vector<16xi32>
    %min3A_208 = arith.minsi %min3A_201, %gather3A_207 : vector<16xi32>
    %xor3A_209 = arith.constant 8 : i32
    %xor3A_210 = vector.broadcast %xor3A_209 : i32 to vector<16xi32>
    %xor3A_211 = arith.xori %iota3A, %xor3A_210 : vector<16xi32>
    %broadcast_in_dim3A_212 = vector.shape_cast %xor3A_211 : vector<16xi32> to vector<16x1xi32>
    %gather3A_213 = vector.shape_cast %broadcast_in_dim3A_212 : vector<16x1xi32> to vector<16xi32>
    %gather3A_214 = tpu.dynamic_gather %min3A_208[%gather3A_213] in [0] : vector<16xi32>, vector<16xi32> -> vector<16xi32>
    %min3A_215 = arith.minsi %min3A_208, %gather3A_214 : vector<16xi32>
    %eq3A_216 = arith.constant 2 : i32
    %eq3A_217 = vector.broadcast %eq3A_216 : i32 to vector<16xi32>
    %eq3A_218 = arith.cmpi eq, %iota3A, %eq3A_217 : vector<16xi32>
    %select_n3A_219 = arith.select %eq3A_218, %min3A_215, %select_n3A_151 : vector<16xi1>, vector<16xi32>
    %xor3A_220 = arith.constant 1 : i32
    %xor3A_221 = vector.broadcast %xor3A_220 : i32 to vector<16xi32>
    %xor3A_222 = arith.xori %iota3A, %xor3A_221 : vector<16xi32>
    %broadcast_in_dim3A_223 = vector.shape_cast %xor3A_222 : vector<16xi32> to vector<16x1xi32>
    %gather3A_224 = vector.shape_cast %broadcast_in_dim3A_223 : vector<16x1xi32> to vector<16xi32>
    %gather3A_225 = tpu.dynamic_gather %scan3A_21#3[%gather3A_224] in [0] : vector<16xf32>, vector<16xi32> -> vector<16xf32>
    %max3A_226 = arith.maximumf %scan3A_21#3, %gather3A_225 : vector<16xf32>
    %xor3A_227 = arith.constant 2 : i32
    %xor3A_228 = vector.broadcast %xor3A_227 : i32 to vector<16xi32>
    %xor3A_229 = arith.xori %iota3A, %xor3A_228 : vector<16xi32>
    %broadcast_in_dim3A_230 = vector.shape_cast %xor3A_229 : vector<16xi32> to vector<16x1xi32>
    %gather3A_231 = vector.shape_cast %broadcast_in_dim3A_230 : vector<16x1xi32> to vector<16xi32>
    %gather3A_232 = tpu.dynamic_gather %max3A_226[%gather3A_231] in [0] : vector<16xf32>, vector<16xi32> -> vector<16xf32>
    %max3A_233 = arith.maximumf %max3A_226, %gather3A_232 : vector<16xf32>
    %xor3A_234 = arith.constant 4 : i32
    %xor3A_235 = vector.broadcast %xor3A_234 : i32 to vector<16xi32>
    %xor3A_236 = arith.xori %iota3A, %xor3A_235 : vector<16xi32>
    %broadcast_in_dim3A_237 = vector.shape_cast %xor3A_236 : vector<16xi32> to vector<16x1xi32>
    %gather3A_238 = vector.shape_cast %broadcast_in_dim3A_237 : vector<16x1xi32> to vector<16xi32>
    %gather3A_239 = tpu.dynamic_gather %max3A_233[%gather3A_238] in [0] : vector<16xf32>, vector<16xi32> -> vector<16xf32>
    %max3A_240 = arith.maximumf %max3A_233, %gather3A_239 : vector<16xf32>
    %xor3A_241 = arith.constant 8 : i32
    %xor3A_242 = vector.broadcast %xor3A_241 : i32 to vector<16xi32>
    %xor3A_243 = arith.xori %iota3A, %xor3A_242 : vector<16xi32>
    %broadcast_in_dim3A_244 = vector.shape_cast %xor3A_243 : vector<16xi32> to vector<16x1xi32>
    %gather3A_245 = vector.shape_cast %broadcast_in_dim3A_244 : vector<16x1xi32> to vector<16xi32>
    %gather3A_246 = tpu.dynamic_gather %max3A_240[%gather3A_245] in [0] : vector<16xf32>, vector<16xi32> -> vector<16xf32>
    %max3A_247 = arith.maximumf %max3A_240, %gather3A_246 : vector<16xf32>
    %mul3A_248 = arith.constant 16 : i32
    %mul3A_249 = vector.broadcast %mul3A_248 : i32 to vector<16xi32>
    %mul3A_250 = arith.muli %scan3A_21#7, %mul3A_249 : vector<16xi32>
    %add3A_251 = arith.addi %mul3A_250, %iota3A : vector<16xi32>
    %eq3A_252 = arith.cmpf oeq, %scan3A_21#3, %max3A_247 : vector<16xf32>
    %jit3A_253 = arith.constant 32768 : i32
    %broadcast_in_dim3A_254 = vector.broadcast %jit3A_253 : i32 to vector<16xi32>
    %select_n3A_255 = arith.select %eq3A_252, %add3A_251, %broadcast_in_dim3A_254 : vector<16xi1>, vector<16xi32>
    %xor3A_256 = arith.constant 1 : i32
    %xor3A_257 = vector.broadcast %xor3A_256 : i32 to vector<16xi32>
    %xor3A_258 = arith.xori %iota3A, %xor3A_257 : vector<16xi32>
    %broadcast_in_dim3A_259 = vector.shape_cast %xor3A_258 : vector<16xi32> to vector<16x1xi32>
    %gather3A_260 = vector.shape_cast %broadcast_in_dim3A_259 : vector<16x1xi32> to vector<16xi32>
    %gather3A_261 = tpu.dynamic_gather %select_n3A_255[%gather3A_260] in [0] : vector<16xi32>, vector<16xi32> -> vector<16xi32>
    %min3A_262 = arith.minsi %select_n3A_255, %gather3A_261 : vector<16xi32>
    %xor3A_263 = arith.constant 2 : i32
    %xor3A_264 = vector.broadcast %xor3A_263 : i32 to vector<16xi32>
    %xor3A_265 = arith.xori %iota3A, %xor3A_264 : vector<16xi32>
    %broadcast_in_dim3A_266 = vector.shape_cast %xor3A_265 : vector<16xi32> to vector<16x1xi32>
    %gather3A_267 = vector.shape_cast %broadcast_in_dim3A_266 : vector<16x1xi32> to vector<16xi32>
    %gather3A_268 = tpu.dynamic_gather %min3A_262[%gather3A_267] in [0] : vector<16xi32>, vector<16xi32> -> vector<16xi32>
    %min3A_269 = arith.minsi %min3A_262, %gather3A_268 : vector<16xi32>
    %xor3A_270 = arith.constant 4 : i32
    %xor3A_271 = vector.broadcast %xor3A_270 : i32 to vector<16xi32>
    %xor3A_272 = arith.xori %iota3A, %xor3A_271 : vector<16xi32>
    %broadcast_in_dim3A_273 = vector.shape_cast %xor3A_272 : vector<16xi32> to vector<16x1xi32>
    %gather3A_274 = vector.shape_cast %broadcast_in_dim3A_273 : vector<16x1xi32> to vector<16xi32>
    %gather3A_275 = tpu.dynamic_gather %min3A_269[%gather3A_274] in [0] : vector<16xi32>, vector<16xi32> -> vector<16xi32>
    %min3A_276 = arith.minsi %min3A_269, %gather3A_275 : vector<16xi32>
    %xor3A_277 = arith.constant 8 : i32
    %xor3A_278 = vector.broadcast %xor3A_277 : i32 to vector<16xi32>
    %xor3A_279 = arith.xori %iota3A, %xor3A_278 : vector<16xi32>
    %broadcast_in_dim3A_280 = vector.shape_cast %xor3A_279 : vector<16xi32> to vector<16x1xi32>
    %gather3A_281 = vector.shape_cast %broadcast_in_dim3A_280 : vector<16x1xi32> to vector<16xi32>
    %gather3A_282 = tpu.dynamic_gather %min3A_276[%gather3A_281] in [0] : vector<16xi32>, vector<16xi32> -> vector<16xi32>
    %min3A_283 = arith.minsi %min3A_276, %gather3A_282 : vector<16xi32>
    %eq3A_284 = arith.constant 3 : i32
    %eq3A_285 = vector.broadcast %eq3A_284 : i32 to vector<16xi32>
    %eq3A_286 = arith.cmpi eq, %iota3A, %eq3A_285 : vector<16xi32>
    %select_n3A_287 = arith.select %eq3A_286, %min3A_283, %select_n3A_219 : vector<16xi1>, vector<16xi32>
    %swap3A = arith.constant 0 : index
    %swap3A_288 = tpu.vector_load %arg10[%swap3A] {strides = array<i32>} : memref<16xi32, #tpu.memory_space<vmem>>, vector<16xi32>,
    %swap3A_289 = vector.shape_cast %swap3A_288 : vector<16xi32> to vector<16xi32>
    %swap3A_290 = vector.shape_cast %select_n3A_287 : vector<16xi32> to vector<16xi32>
    tpu.vector_store %arg10[%swap3A], %swap3A_290 {strides = array<i32>} : memref<16xi32, #tpu.memory_space<vmem>>, vector<16xi32>,
    "tpu.region"() ({
      %run_scoped3A = tpu.sem_alloc : memref<!tpu.dma_semaphore, #tpu.memory_space<semaphore_mem>>
      %dma_start3A = arith.constant 0 : i32
      %dma_start3A_291 = tpu.memref_slice %arg4[%add3A, %dma_start3A] : memref<32x16xi32, #tpu.memory_space<hbm>> -> memref<1x16xi32, #tpu.memory_space<hbm>>
      %dma_start3A_292 = tpu.memref_squeeze %dma_start3A_291 : memref<1x16xi32, #tpu.memory_space<hbm>> -> memref<16xi32, #tpu.memory_space<hbm>>
      %dma_start3A_293 = arith.constant 0 : i32
      %dma_start3A_294 = tpu.memref_slice %arg4[%add3A, %dma_start3A_293] : memref<32x16xi32, #tpu.memory_space<hbm>> -> memref<1x16xi32, #tpu.memory_space<hbm>>
      %dma_start3A_295 = tpu.memref_squeeze %dma_start3A_294 : memref<1x16xi32, #tpu.memory_space<hbm>> -> memref<16xi32, #tpu.memory_space<hbm>>
      tpu.enqueue_dma source(%arg10 : memref<16xi32, #tpu.memory_space<vmem>>) target(%dma_start3A_295 : memref<16xi32, #tpu.memory_space<hbm>>) target_semaphore(%run_scoped3A : memref<!tpu.dma_semaphore, #tpu.memory_space<semaphore_mem>>)
      %dma_wait3A = arith.constant 0 : i32
      %dma_wait3A_296 = tpu.memref_slice %arg4[%add3A, %dma_wait3A] : memref<32x16xi32, #tpu.memory_space<hbm>> -> memref<1x16xi32, #tpu.memory_space<hbm>>
      %dma_wait3A_297 = tpu.memref_squeeze %dma_wait3A_296 : memref<1x16xi32, #tpu.memory_space<hbm>> -> memref<16xi32, #tpu.memory_space<hbm>>
      %dma_wait3A_298 = arith.constant 0 : i32
      %dma_wait3A_299 = tpu.memref_slice %arg4[%add3A, %dma_wait3A_298] : memref<32x16xi32, #tpu.memory_space<hbm>> -> memref<1x16xi32, #tpu.memory_space<hbm>>
      %dma_wait3A_300 = tpu.memref_squeeze %dma_wait3A_299 : memref<1x16xi32, #tpu.memory_space<hbm>> -> memref<16xi32, #tpu.memory_space<hbm>>
      tpu.wait_dma2 semaphore(%run_scoped3A : memref<!tpu.dma_semaphore, #tpu.memory_space<semaphore_mem>>) src(%arg10 : memref<16xi32, #tpu.memory_space<vmem>>) dst(%dma_wait3A_300 : memref<16xi32, #tpu.memory_space<hbm>>)
      tpu.yield
    }) : () -> ()
    return
  }
}

module attributes {stable_mosaic.version = 14 : i64} {
  func.func @_body(%arg0: i32, %arg1: memref<16x32768xf32, #tpu.memory_space<vmem>>, %arg2: memref<16x32768xf32, #tpu.memory_space<vmem>>, %arg3: memref<16x32768xf32, #tpu.memory_space<vmem>>, %arg4: memref<16x32768xf32, #tpu.memory_space<vmem>>, %arg5: memref<16x32768xf32, #tpu.memory_space<vmem>>, %arg6: memref<1x4x16xi32, #tpu.memory_space<vmem>>) attributes {dimension_semantics = [#tpu.dimension_semantics<arbitrary>], iteration_bounds = array<i64: 6>, scalar_prefetch = 0 : i64, scratch_operands = 0 : i64, tpu.core_type = #tpu.core_type<tc>, window_params = [{transform_indices = @transform_0, window_bounds = array<i64: 16, 32768>}, {transform_indices = @transform_1, window_bounds = array<i64: 16, 32768>}, {transform_indices = @transform_2, window_bounds = array<i64: 16, 32768>}, {transform_indices = @transform_3, window_bounds = array<i64: 16, 32768>}, {transform_indices = @transform_4, window_bounds = array<i64: 16, 32768>}, {transform_indices = @transform_5, window_bounds = array<i64: 1, 4, 16>}]} {
    %broadcast_in_dim3A = arith.constant 0xFF800000 : f32
    %broadcast_in_dim3A_0 = vector.broadcast %broadcast_in_dim3A : f32 to vector<16x512xf32>
    %broadcast_in_dim3A_1 = arith.constant 0 : i32
    %broadcast_in_dim3A_2 = vector.broadcast %broadcast_in_dim3A_1 : i32 to vector<16x512xi32>
    %scan3A = arith.constant 0 : i32
    %scan3A_3 = arith.constant 64 : i32
    %scan3A_4 = arith.addi %scan3A, %scan3A_3 : i32
    %scan3A_5 = arith.constant 1 : i32
    %scan3A_6:8 = scf.for %scan3A_80 = %scan3A to %scan3A_4 step %scan3A_5 iter_args(%scan3A_81 = %broadcast_in_dim3A_0, %scan3A_82 = %broadcast_in_dim3A_0, %scan3A_83 = %broadcast_in_dim3A_0, %scan3A_84 = %broadcast_in_dim3A_0, %scan3A_85 = %broadcast_in_dim3A_2, %scan3A_86 = %broadcast_in_dim3A_2, %scan3A_87 = %broadcast_in_dim3A_2, %scan3A_88 = %broadcast_in_dim3A_2) -> (vector<16x512xf32>, vector<16x512xf32>, vector<16x512xf32>, vector<16x512xf32>, vector<16x512xi32>, vector<16x512xi32>, vector<16x512xi32>, vector<16x512xi32>)  : i32 {
      %mul3A_89 = arith.constant 512 : i32
      %mul3A_90 = arith.muli %scan3A_80, %mul3A_89 : i32
      %get3A = arith.constant 0 : index
      %get3A_91 = arith.index_cast %mul3A_90 : i32 to index
      %get3A_92 = vector.load %arg5[%get3A, %get3A_91] : memref<16x32768xf32, #tpu.memory_space<vmem>>, vector<16x512xf32>
      %get3A_93 = arith.constant 0 : index
      %get3A_94 = arith.index_cast %mul3A_90 : i32 to index
      %get3A_95 = vector.load %arg1[%get3A_93, %get3A_94] : memref<16x32768xf32, #tpu.memory_space<vmem>>, vector<16x512xf32>
      %add3A_96 = arith.addf %get3A_95, %get3A_92 : vector<16x512xf32>
      %gt3A = arith.cmpf ogt, %add3A_96, %scan3A_81 : vector<16x512xf32>
      %select_n3A_97 = arith.select %gt3A, %add3A_96, %scan3A_81 : vector<16x512xi1>, vector<16x512xf32>
      %broadcast_in_dim3A_98 = vector.broadcast %scan3A_80 : i32 to vector<16x512xi32>
      %select_n3A_99 = arith.select %gt3A, %broadcast_in_dim3A_98, %scan3A_85 : vector<16x512xi1>, vector<16x512xi32>
      %get3A_100 = arith.constant 0 : index
      %get3A_101 = arith.index_cast %mul3A_90 : i32 to index
      %get3A_102 = vector.load %arg2[%get3A_100, %get3A_101] : memref<16x32768xf32, #tpu.memory_space<vmem>>, vector<16x512xf32>
      %add3A_103 = arith.addf %get3A_102, %get3A_92 : vector<16x512xf32>
      %gt3A_104 = arith.cmpf ogt, %add3A_103, %scan3A_82 : vector<16x512xf32>
      %select_n3A_105 = arith.select %gt3A_104, %add3A_103, %scan3A_82 : vector<16x512xi1>, vector<16x512xf32>
      %broadcast_in_dim3A_106 = vector.broadcast %scan3A_80 : i32 to vector<16x512xi32>
      %select_n3A_107 = arith.select %gt3A_104, %broadcast_in_dim3A_106, %scan3A_86 : vector<16x512xi1>, vector<16x512xi32>
      %get3A_108 = arith.constant 0 : index
      %get3A_109 = arith.index_cast %mul3A_90 : i32 to index
      %get3A_110 = vector.load %arg3[%get3A_108, %get3A_109] : memref<16x32768xf32, #tpu.memory_space<vmem>>, vector<16x512xf32>
      %add3A_111 = arith.addf %get3A_110, %get3A_92 : vector<16x512xf32>
      %gt3A_112 = arith.cmpf ogt, %add3A_111, %scan3A_83 : vector<16x512xf32>
      %select_n3A_113 = arith.select %gt3A_112, %add3A_111, %scan3A_83 : vector<16x512xi1>, vector<16x512xf32>
      %broadcast_in_dim3A_114 = vector.broadcast %scan3A_80 : i32 to vector<16x512xi32>
      %select_n3A_115 = arith.select %gt3A_112, %broadcast_in_dim3A_114, %scan3A_87 : vector<16x512xi1>, vector<16x512xi32>
      %get3A_116 = arith.constant 0 : index
      %get3A_117 = arith.index_cast %mul3A_90 : i32 to index
      %get3A_118 = vector.load %arg4[%get3A_116, %get3A_117] : memref<16x32768xf32, #tpu.memory_space<vmem>>, vector<16x512xf32>
      %add3A_119 = arith.addf %get3A_118, %get3A_92 : vector<16x512xf32>
      %gt3A_120 = arith.cmpf ogt, %add3A_119, %scan3A_84 : vector<16x512xf32>
      %select_n3A_121 = arith.select %gt3A_120, %add3A_119, %scan3A_84 : vector<16x512xi1>, vector<16x512xf32>
      %broadcast_in_dim3A_122 = vector.broadcast %scan3A_80 : i32 to vector<16x512xi32>
      %select_n3A_123 = arith.select %gt3A_120, %broadcast_in_dim3A_122, %scan3A_88 : vector<16x512xi1>, vector<16x512xi32>
      scf.yield %select_n3A_97, %select_n3A_105, %select_n3A_113, %select_n3A_121, %select_n3A_99, %select_n3A_107, %select_n3A_115, %select_n3A_123 : vector<16x512xf32>, vector<16x512xf32>, vector<16x512xf32>, vector<16x512xf32>, vector<16x512xi32>, vector<16x512xi32>, vector<16x512xi32>, vector<16x512xi32>
    }
    %scan3A_7 = arith.constant 64 : i32
    %iota3A = tpu.iota {dimensions = array<i32: 1>} : vector<16x512xi32>
    %reduce_max3A = arith.constant dense<0xFF800000> : vector<16xf32>
    %reduce_max3A_8 = vector.multi_reduction <maximumf>, %scan3A_6#0, %reduce_max3A [1] : vector<16x512xf32> to vector<16xf32>
    %broadcast_in_dim3A_9 = vector.shape_cast %reduce_max3A_8 : vector<16xf32> to vector<16x1xf32>
    %mul3A = arith.constant 512 : i32
    %mul3A_10 = vector.broadcast %mul3A : i32 to vector<16x512xi32>
    %mul3A_11 = arith.muli %scan3A_6#4, %mul3A_10 : vector<16x512xi32>
    %add3A = arith.addi %mul3A_11, %iota3A : vector<16x512xi32>
    %eq3A = vector.broadcast %broadcast_in_dim3A_9 : vector<16x1xf32> to vector<16x512xf32>
    %eq3A_12 = arith.cmpf oeq, %scan3A_6#0, %eq3A : vector<16x512xf32>
    %jit3A = arith.constant 32768 : i32
    %broadcast_in_dim3A_13 = vector.broadcast %jit3A : i32 to vector<16x512xi32>
    %select_n3A = arith.select %eq3A_12, %add3A, %broadcast_in_dim3A_13 : vector<16x512xi1>, vector<16x512xi32>
    %reduce_min3A = arith.constant dense<2147483647> : vector<16xi32>
    %reduce_min3A_14 = vector.multi_reduction <minsi>, %select_n3A, %reduce_min3A [1] : vector<16x512xi32> to vector<16xi32>
    %swap3A = arith.constant 0 : index
    %swap3A_15 = arith.constant 0 : index
    %swap3A_16 = arith.constant 0 : index
    %swap3A_17 = vector.load %arg6[%swap3A, %swap3A_15, %swap3A_16] : memref<1x4x16xi32, #tpu.memory_space<vmem>>, vector<1x1x16xi32>
    %swap3A_18 = vector.shape_cast %swap3A_17 : vector<1x1x16xi32> to vector<16xi32>
    %swap3A_19 = vector.shape_cast %reduce_min3A_14 : vector<16xi32> to vector<1x1x16xi32>
    tpu.vector_store %arg6[%swap3A, %swap3A_15, %swap3A_16], %swap3A_19 {strides = array<i32>} : memref<1x4x16xi32, #tpu.memory_space<vmem>>, vector<1x1x16xi32>,
    %reduce_max3A_20 = arith.constant dense<0xFF800000> : vector<16xf32>
    %reduce_max3A_21 = vector.multi_reduction <maximumf>, %scan3A_6#1, %reduce_max3A_20 [1] : vector<16x512xf32> to vector<16xf32>
    %broadcast_in_dim3A_22 = vector.shape_cast %reduce_max3A_21 : vector<16xf32> to vector<16x1xf32>
    %mul3A_23 = arith.constant 512 : i32
    %mul3A_24 = vector.broadcast %mul3A_23 : i32 to vector<16x512xi32>
    %mul3A_25 = arith.muli %scan3A_6#5, %mul3A_24 : vector<16x512xi32>
    %add3A_26 = arith.addi %mul3A_25, %iota3A : vector<16x512xi32>
    %eq3A_27 = vector.broadcast %broadcast_in_dim3A_22 : vector<16x1xf32> to vector<16x512xf32>
    %eq3A_28 = arith.cmpf oeq, %scan3A_6#1, %eq3A_27 : vector<16x512xf32>
    %jit3A_29 = arith.constant 32768 : i32
    %broadcast_in_dim3A_30 = vector.broadcast %jit3A_29 : i32 to vector<16x512xi32>
    %select_n3A_31 = arith.select %eq3A_28, %add3A_26, %broadcast_in_dim3A_30 : vector<16x512xi1>, vector<16x512xi32>
    %reduce_min3A_32 = arith.constant dense<2147483647> : vector<16xi32>
    %reduce_min3A_33 = vector.multi_reduction <minsi>, %select_n3A_31, %reduce_min3A_32 [1] : vector<16x512xi32> to vector<16xi32>
    %swap3A_34 = arith.constant 0 : index
    %swap3A_35 = arith.constant 1 : index
    %swap3A_36 = arith.constant 0 : index
    %swap3A_37 = vector.load %arg6[%swap3A_34, %swap3A_35, %swap3A_36] : memref<1x4x16xi32, #tpu.memory_space<vmem>>, vector<1x1x16xi32>
    %swap3A_38 = vector.shape_cast %swap3A_37 : vector<1x1x16xi32> to vector<16xi32>
    %swap3A_39 = vector.shape_cast %reduce_min3A_33 : vector<16xi32> to vector<1x1x16xi32>
    tpu.vector_store %arg6[%swap3A_34, %swap3A_35, %swap3A_36], %swap3A_39 {strides = array<i32>} : memref<1x4x16xi32, #tpu.memory_space<vmem>>, vector<1x1x16xi32>,
    %reduce_max3A_40 = arith.constant dense<0xFF800000> : vector<16xf32>
    %reduce_max3A_41 = vector.multi_reduction <maximumf>, %scan3A_6#2, %reduce_max3A_40 [1] : vector<16x512xf32> to vector<16xf32>
    %broadcast_in_dim3A_42 = vector.shape_cast %reduce_max3A_41 : vector<16xf32> to vector<16x1xf32>
    %mul3A_43 = arith.constant 512 : i32
    %mul3A_44 = vector.broadcast %mul3A_43 : i32 to vector<16x512xi32>
    %mul3A_45 = arith.muli %scan3A_6#6, %mul3A_44 : vector<16x512xi32>
    %add3A_46 = arith.addi %mul3A_45, %iota3A : vector<16x512xi32>
    %eq3A_47 = vector.broadcast %broadcast_in_dim3A_42 : vector<16x1xf32> to vector<16x512xf32>
    %eq3A_48 = arith.cmpf oeq, %scan3A_6#2, %eq3A_47 : vector<16x512xf32>
    %jit3A_49 = arith.constant 32768 : i32
    %broadcast_in_dim3A_50 = vector.broadcast %jit3A_49 : i32 to vector<16x512xi32>
    %select_n3A_51 = arith.select %eq3A_48, %add3A_46, %broadcast_in_dim3A_50 : vector<16x512xi1>, vector<16x512xi32>
    %reduce_min3A_52 = arith.constant dense<2147483647> : vector<16xi32>
    %reduce_min3A_53 = vector.multi_reduction <minsi>, %select_n3A_51, %reduce_min3A_52 [1] : vector<16x512xi32> to vector<16xi32>
    %swap3A_54 = arith.constant 0 : index
    %swap3A_55 = arith.constant 2 : index
    %swap3A_56 = arith.constant 0 : index
    %swap3A_57 = vector.load %arg6[%swap3A_54, %swap3A_55, %swap3A_56] : memref<1x4x16xi32, #tpu.memory_space<vmem>>, vector<1x1x16xi32>
    %swap3A_58 = vector.shape_cast %swap3A_57 : vector<1x1x16xi32> to vector<16xi32>
    %swap3A_59 = vector.shape_cast %reduce_min3A_53 : vector<16xi32> to vector<1x1x16xi32>
    tpu.vector_store %arg6[%swap3A_54, %swap3A_55, %swap3A_56], %swap3A_59 {strides = array<i32>} : memref<1x4x16xi32, #tpu.memory_space<vmem>>, vector<1x1x16xi32>,
    %reduce_max3A_60 = arith.constant dense<0xFF800000> : vector<16xf32>
    %reduce_max3A_61 = vector.multi_reduction <maximumf>, %scan3A_6#3, %reduce_max3A_60 [1] : vector<16x512xf32> to vector<16xf32>
    %broadcast_in_dim3A_62 = vector.shape_cast %reduce_max3A_61 : vector<16xf32> to vector<16x1xf32>
    %mul3A_63 = arith.constant 512 : i32
    %mul3A_64 = vector.broadcast %mul3A_63 : i32 to vector<16x512xi32>
    %mul3A_65 = arith.muli %scan3A_6#7, %mul3A_64 : vector<16x512xi32>
    %add3A_66 = arith.addi %mul3A_65, %iota3A : vector<16x512xi32>
    %eq3A_67 = vector.broadcast %broadcast_in_dim3A_62 : vector<16x1xf32> to vector<16x512xf32>
    %eq3A_68 = arith.cmpf oeq, %scan3A_6#3, %eq3A_67 : vector<16x512xf32>
    %jit3A_69 = arith.constant 32768 : i32
    %broadcast_in_dim3A_70 = vector.broadcast %jit3A_69 : i32 to vector<16x512xi32>
    %select_n3A_71 = arith.select %eq3A_68, %add3A_66, %broadcast_in_dim3A_70 : vector<16x512xi1>, vector<16x512xi32>
    %reduce_min3A_72 = arith.constant dense<2147483647> : vector<16xi32>
    %reduce_min3A_73 = vector.multi_reduction <minsi>, %select_n3A_71, %reduce_min3A_72 [1] : vector<16x512xi32> to vector<16xi32>
    %swap3A_74 = arith.constant 0 : index
    %swap3A_75 = arith.constant 3 : index
    %swap3A_76 = arith.constant 0 : index
    %swap3A_77 = vector.load %arg6[%swap3A_74, %swap3A_75, %swap3A_76] : memref<1x4x16xi32, #tpu.memory_space<vmem>>, vector<1x1x16xi32>
    %swap3A_78 = vector.shape_cast %swap3A_77 : vector<1x1x16xi32> to vector<16xi32>
    %swap3A_79 = vector.shape_cast %reduce_min3A_73 : vector<16xi32> to vector<1x1x16xi32>
    tpu.vector_store %arg6[%swap3A_74, %swap3A_75, %swap3A_76], %swap3A_79 {strides = array<i32>} : memref<1x4x16xi32, #tpu.memory_space<vmem>>, vector<1x1x16xi32>,
    return
  }
  func.func @transform_0(%arg0: i32) -> (i32, i32) {
    %c0_i32 = arith.constant 0 : i32
    %c0_i32_0 = arith.constant 0 : i32
    return %arg0, %c0_i32 : i32, i32
  }
  func.func @transform_1(%arg0: i32) -> (i32, i32) {
    %c1_i32 = arith.constant 1 : i32
    %c0_i32 = arith.constant 0 : i32
    return %arg0, %c1_i32 : i32, i32
  }
  func.func @transform_2(%arg0: i32) -> (i32, i32) {
    %c2_i32 = arith.constant 2 : i32
    %c0_i32 = arith.constant 0 : i32
    return %arg0, %c2_i32 : i32, i32
  }
  func.func @transform_3(%arg0: i32) -> (i32, i32) {
    %c3_i32 = arith.constant 3 : i32
    %c0_i32 = arith.constant 0 : i32
    return %arg0, %c3_i32 : i32, i32
  }
  func.func @transform_4(%arg0: i32) -> (i32, i32) {
    %c0_i32 = arith.constant 0 : i32
    %c0_i32_0 = arith.constant 0 : i32
    return %arg0, %c0_i32 : i32, i32
  }
  func.func @transform_5(%arg0: i32) -> (i32, i32, i32) {
    %c0_i32 = arith.constant 0 : i32
    %c0_i32_0 = arith.constant 0 : i32
    %c0_i32_1 = arith.constant 0 : i32
    return %arg0, %c0_i32, %c0_i32_0 : i32, i32, i32
  }
}

</mosaic_0001>

<sc_bundles>
// kernel: kernel.4.cloned.1.call-start
scs
__scs_entry_jumppad:
0x0: {  	(pc) =	sbr.rel $0x88, $3  }
0x1: {  	(tag) =	ssettag $0x0;
	lr =	simm.s32 $0x1  }
0x2: {  	[smem:$0x3FA0] =	sst lr;
	_ =	strace $0xD0000000  }
0x3: {  	_ = 	snop  }
0x4: {  	_ = 	snop  }
0x5: {  	_ = 	snop  }
0x6: {  	_ = 	snop  }
0x7: {  	_ = 	snop  }
__scs_overlays_trampoline_lowered:
0x8: {  	[smem:$0x3FAF] =	sst s0  }
0x9: {  	[smem:$0x3FB0] =	sst s1  }
0xa: {  	[smem:$0x3FB1] =	sst s2  }
0xb: {  	[smem:$0x3FB2] =	sst s3  }
0xc: {  	[smem:$0x3FB3] =	sst s4  }
0xd: {  	[smem:$0x3FB4] =	sst s5  }
0xe: {  	[smem:$0x3FB5] =	sst s6  }
0xf: {  	[smem:$0x3FB6] =	sst s7  }
0x10: {  	[smem:$0x3FB7] =	sst s8  }
0x11: {  	[smem:$0x3FB8] =	sst s9;
	s0 =	simm.s32 @!p0 $0x0  }
0x12: {  	s1 =	sld [smem:$0x3F9E];
	s0 =	simm.s32 @p0 $0x1  }
0x13: {  	[smem:$0x3FB9] =	sst s0;
	s0 =	simm.s32 @!p1 $0x0  }
0x14: {  	s2 =	sld [smem:$0x3F9D];
	s0 =	simm.s32 @p1 $0x1  }
0x15: {  	[smem:$0x3FBA] =	sst s0;
	s0 =	simm.s32 @!p2 $0x0  }
0x16: {  	s3 =	sld [smem:$0x3FDB];
	s0 =	simm.s32 @p2 $0x1  }
0x17: {  	s4 =	simm.s32 $0x1BF5;
	[smem:$0x3FBC] =	sst s0  }
0x18: {  	s0 =	sld [smem:$0x3F9F];
	_ =	swait.ge [sflag:s4], $0x0  }
0x19: {  	s7 =	sld [smem:$0x3FA0]  }
0x1a: {  	s8 =	sadd.s32 $0xFFFFE003, lr  }
0x1b: {  	s9 =	sadd.s32 $0xFFFFFEF7, lr;
	s5 =	simm.s32 $0xFFFFFFFF;
	p2 =	slt.u32 s8, $0xFFFFF086  }
0x1c: {  	p1 =	slt.u32 s9, $0xF7A;
	s5 =	simm.s32 @!p2 $0x0  }
0x1d: {  	s5 =	simm.s32 @p1 $0x1;
	p0 =	seq.s32 s7, s2  }
0x1e: {  	s7 =	smul.u32 @!p0 $0xF7A, s2;
	p2 =	seq.s32 @!p0 s5, $0x0  }
0x1f: {  	s9 =	smul.u32 $0xF7A, s1;
	s8 =	simm.s32 @!p0 $0x1BF5;
	p2 =	por !p2, p0  }
0x20: {  	[sflag:s8] =	ssyncset.s32 @!p0 $0xFFFFF086;
	s6 =	sadd.s32 @!p0 s3, s7;
	s7 =	simm.s32 @!p0 $0x108  }
0x21: {  	s3 =	sadd.s32 s3, s9;
	s6 =	sadd.s32 @!p0 $0x88, s6;
	s7 =	simm.s32 @p2 $0x1082  }
0x22: {  	[simem:s7], [sflag:s8] =	dma.local @!p0 [hbm:s6], $0xF7A  }
0x23: {  	s9 =	sor.u32 $0xD0000000, s2;
	s6 =	simm.s32 $0x108;
	_ =	swait.ge @!p0 [sflag:s8], $0x0  }
0x24: {  	s3 =	sadd.s32 $0x88, s3;
	s6 =	simm.s32 @!p1 $0x1082;
	[sflag:s4] =	ssyncset.s32 $0xFFFFF086  }
0x25: {  	[simem:s6], [sflag:s4] =	dma.local [hbm:s3], $0xF7A  }
0x26: {  	[smem:$0x3FA0] =	sst s1;
	(tag) =	ssettag s2;
	_ =	strace s9  }
0x27: {  	s1 =	sld [smem:$0x3FB0]  }
0x28: {  	s2 =	sld [smem:$0x3FB1]  }
0x29: {  	s4 =	sld [smem:$0x3FB3]  }
0x2a: {  	p0 =	seq.s32 s5, $0x0;
	s5 =	sld [smem:$0x3FB4]  }
0x2b: {  	s6 =	sld [smem:$0x3FB5]  }
0x2c: {  	s7 =	sld [smem:$0x3FB6]  }
0x2d: {  	s3 =	simm.s32 $0x108;
	s8 =	sld [smem:$0x3FB7]  }
0x2e: {  	s3 =	simm.s32 @!p0 $0x1082;
	s9 =	sld [smem:$0x3FB8]  }
0x2f: {  	lr =	sadd.s32 s0, s3;
	s0 =	sld [smem:$0x3FAF]  }
0x30: {  	s3 =	sld [smem:$0x3FB2]  }
0x31: {  	[smem:$0x3FBB] =	sst s10  }
0x32: {  	s10 =	sld [smem:$0x3FB9];
	_ =	sdelay $0x3  }
0x33: {  	p0 =	seq.s32 s10, $0x1;
	s10 =	sld [smem:$0x3FBB];
	_ =	sdelay $0x3  }
0x34: {  	[smem:$0x3FBB] =	sst s10  }
0x35: {  	s10 =	sld [smem:$0x3FBA];
	_ =	sdelay $0x3  }
0x36: {  	p1 =	seq.s32 s10, $0x1;
	s10 =	sld [smem:$0x3FBB];
	_ =	sdelay $0x3  }
0x37: {  	[smem:$0x3FBB] =	sst s10  }
0x38: {  	s10 =	sld [smem:$0x3FBC]  }
0x39: {  	_ = 	snop;
	(pc) =	sbr.ind lr, $3  }
0x3a: {  	_ = 	snop  }
0x3b: {  	_ = 	snop  }
0x3c: {  	p2 =	seq.s32 s10, $0x1;
	s10 =	sld [smem:$0x3FBB]  }
0x3d: {  	_ =	shalt  }
0x3e: {  	_ =	shalt  }
0x3f: {  	_ =	shalt  }
0x40: {  	_ =	shalt  }
0x41: {  	_ =	shalt  }
0x42: {  	_ =	shalt  }
0x43: {  	_ =	shalt  }
0x44: {  	_ =	shalt  }
0x45: {  	_ =	shalt  }
0x46: {  	_ =	shalt  }
0x47: {  	_ =	shalt  }
0x48: {  	_ =	shalt  }
0x49: {  	_ =	shalt  }
0x4a: {  	_ =	shalt  }
0x4b: {  	_ =	shalt  }
0x4c: {  	_ =	shalt  }
0x4d: {  	_ =	shalt  }
0x4e: {  	_ =	shalt  }
0x4f: {  	_ =	shalt  }
0x50: {  	_ =	shalt  }
0x51: {  	_ =	shalt  }
0x52: {  	_ =	shalt  }
0x53: {  	_ =	shalt  }
0x54: {  	_ =	shalt  }
0x55: {  	_ =	shalt  }
0x56: {  	_ =	shalt  }
0x57: {  	_ =	shalt  }
0x58: {  	_ =	shalt  }
0x59: {  	_ =	shalt  }
0x5a: {  	_ =	shalt  }
0x5b: {  	_ =	shalt  }
0x5c: {  	_ =	shalt  }
0x5d: {  	_ =	shalt  }
0x5e: {  	_ =	shalt  }
0x5f: {  	_ =	shalt  }
0x60: {  	_ =	shalt  }
0x61: {  	_ =	shalt  }
0x62: {  	_ =	shalt  }
0x63: {  	_ =	shalt  }
0x64: {  	_ =	shalt  }
0x65: {  	_ =	shalt  }
0x66: {  	_ =	shalt  }
0x67: {  	_ =	shalt  }
0x68: {  	_ =	shalt  }
0x69: {  	_ =	shalt  }
0x6a: {  	_ =	shalt  }
0x6b: {  	_ =	shalt  }
0x6c: {  	_ =	shalt  }
0x6d: {  	_ =	shalt  }
0x6e: {  	_ =	shalt  }
0x6f: {  	_ =	shalt  }
0x70: {  	_ =	shalt  }
0x71: {  	_ =	shalt  }
0x72: {  	_ =	shalt  }
0x73: {  	_ =	shalt  }
0x74: {  	_ =	shalt  }
0x75: {  	_ =	shalt  }
0x76: {  	_ =	shalt  }
0x77: {  	_ =	shalt  }
0x78: {  	_ =	shalt  }
0x79: {  	_ =	shalt  }
0x7a: {  	_ =	shalt  }
0x7b: {  	_ =	shalt  }
0x7c: {  	_ =	shalt  }
0x7d: {  	_ =	shalt  }
0x7e: {  	_ =	shalt  }
0x7f: {  	_ =	shalt  }
0x80: {  	_ =	shalt  }
0x81: {  	_ =	shalt  }
0x82: {  	_ =	shalt  }
0x83: {  	_ =	shalt  }
0x84: {  	_ =	shalt  }
0x85: {  	_ =	shalt  }
0x86: {  	_ =	shalt  }
0x87: {  	_ =	shalt  }
.Lfunc_end0:
.L_simem_size_0:
called_computation_lowered:
.L_overlay_start_0:
0x88: {  	s2 =	sld [smem:$0x3FD9]  }
0x89: {  	s3 =	sld [smem:$0x3FFE];
	_ =	sdelay $0x1  }
0x8a: {  	s1 =	srdreg.scid  }
0x8b: {  	s0 =	sand.u32 $0x1, s1  }
0x8c: {  	s17 =	sshll.u32 s0, $0xA;
	s2 =	sadd.s32 s3, s2  }
0x8d: {  	s2 =	sadd.s32 s2, s17  }
0x8e: {  	[smem:$0x3FC7] =	sst s2  }
0x8f: {  	_ = 	snop  }
0x90: {  	s2 =	sld [smem:$0x3FC9];
	(tm) =	ssettm $0x1  }
0x91: {  	s18 =	sld [smem:$0x3FFB];
	_ =	sdelay $0x3  }
0x92: {  	_ =	strace s18  }
0x93: {  	s3 =	sld [smem:$0x3FFC];
	_ =	sdelay $0x3  }
0x94: {  	_ =	strace s3  }
0x95: {  	s3 =	sld [smem:$0x3FFD];
	_ =	sdelay $0x3  }
0x96: {  	_ =	strace s3  }
0x97: {  	_ =	strace $0x8FFFFFFF  }
0x98: {  	s19 =	sld [smem:$0x3FDB];
	_ =	sdelay $0x1  }
0x99: {  	s4 =	simm.s32 $_scs_section_size  }
0x9a: {  	s5 =	simm.s32 $_size__tile_overlayer_lowered;
	s6 =	simm.s32 $_tile_overlayer_lowered  }
0x9b: {  	s22 =	simm.s32 $0x1BFF;
	s21 =	sshll.u32 s6, $0x1;
	s3 =	sadd.s32 s4, s19  }
0x9c: {  	s7 =	simm.s32 $0x0;
	s20 =	sshll.u32 s5, $0x1;
	s5 =	sadd.s32 s21, s3  }
0x9d: {  	[timem:s7], [sflag:s22] =	dma.local [hbm:s5], s20  }
0x9e: {  	_ =	swait.ge [sflag:s22], s20  }
0x9f: {  	s4 =	ssub.s32 $0x0, s20;
	[sflag:s22] =	ssyncset.done $0x0  }
0xa0: {  	[sflag:s22] =	ssyncadd.s32 s4;
	_ =	sdelay $0x1  }
0xa1: {  	s23 =	simm.s32 $0x1B8B  }
0xa2: {  	_ =	swait.ge [sflag:s23], $0x1  }
0xa3: {  	[sflag:s23] =	ssyncset.done $0x0  }
0xa4: {  	s25 =	simm.s32 $0x1B8E;
	s24 =	sld [smem:$0x3FFE];
	[sflag:s23] =	ssyncadd.s32 $0xFFFFFFFF  }
0xa5: {  	s26 =	simm.s32 $execute0_lowered;
	[smem:$0x3FD2] =	sst s25  }
0xa6: {  	s5 =	sshll.u32 s26, $0x1;
	_ =	strace $0x80000046;
	[dreg:$0x1] =	wrdreg $0xFFFFFFFF  }
0xa7: {  	s28 =	simm.s32 $_size_execute0_lowered;
	s3 =	sadd.s32 s3, s5;
	[dreg:$0x0] =	wrdreg $0x0  }
0xa8: {  	s5 =	sshll.u32 s28, $0x1;
	[dreg:$0x2] =	wrdreg s3  }
0xa9: {  	[dreg:$0x3] =	wrdreg s5  }
0xaa: {  	[dreg:$0x4] =	wrdreg $0xC0  }
0xab: {  	_ =	task [dreg:s7], $0x5FFFF  }
0xac: {  	[dreg:$0x1] =	wrdreg $0xFFFFFFFF  }
0xad: {  	[dreg:$0x0] =	wrdreg $0x60  }
0xae: {  	[dreg:$0x2] =	wrdreg s2  }
0xaf: {  	[dreg:$0x3] =	wrdreg s24  }
0xb0: {  	[dreg:$0x4] =	wrdreg $0x9  }
0xb1: {  	_ =	task.clear_ibuf [dreg:s7], $0x5FFFF;
	_ =	strace $0x90000046  }
0xb2: {  	s29 =	simm.s32 $0x9;
	_ =	strace $0x80000048  }
0xb3: {  	_ =	swait.ge [sflag:s29], $0x1  }
0xb4: {  	[sflag:s29] =	ssyncadd.s32 $0xFFFFFFFF  }
0xb5: {  	_ =	strace $0x90000048  }
0xb6: {  	_ =	sfence  }
0xb7: {  	s30 =	sld [smem:$0x0];
	_ =	sdelay $0x2  }
0xb8: {  	s31 =	sshll.u32 s1, $0xD;
	s1 =	sshrl.u32 s1, $0x2  }
0xb9: {  	s3 =	sand.u32 $0x4000, s31;
	s1 =	sadd.s32 s1, s30  }
0xba: {  	s0 =	sor.u32 s3, s0;
	s1 =	sshll.u32 s1, $0x11  }
0xbb: {  	s0 =	sor.u32 s1, s0  }
0xbc: {  	s0 =	sadd.s32 $0x8F2B, s0  }
0xbd: {  	[sflag:s0] =	ssyncadd.remote.s32 $0x1  }
0xbe: {  	_ =	sfence.sel $0xFFFF  }
0xbf: {  	[dreg:$0x0] =	wrdreg $0xFFFFFFFF;
	(pc) =	sbr.abs _section_cstart, $3  }
0xc0: {  	[dreg:$0x1] =	wrdreg $0xFFFFFFFF  }
0xc1: {  	_ =	task.clear_ibuf [dreg:s7], $0x2FFFF;
	_ =	strace $0x9FFFFFFF  }
0xc2: {  	(tm) =	ssettm $0x7FFFFFFF  }
0xc3: {  	_ =	shalt  }
tec
execute0_lowered:
.L_overlay_start_1:
0x0: {  	(tag) =	ssettag $0x1  }
0x1: {  	s4 =	rddreg [dreg:$0x0]  }
0x2: {  	s3 =	rddreg [dreg:$0x1]  }
0x3: {  	s0 =	rddreg [dreg:$0x2];
	s2 =	srdreg.scid  }
0x4: {  	s1 =	stileid.u32;
	s15 =	simm.s32 $0x80;
	s16 =	simm.s32 $0x400  }
0x5: {  	v0 =	vimm.s32 $0xEFCDAB89;
	v1 =	vimm.s32 $0x67452301;
	s17 =	simm.s32 $0x1;
	s18 =	simm.s32 $0x14000;
	s19 =	simm.s32 $0x0  }
0x6: {  	v2 =	vimm.s32 $0xDCFE98BA;
	v3 =	vimm.s32 $0x54761032;
	v4 =	vimm.s32 $0xBA98FEDC;
	s5 =	sand.u32 $0x1, s2;
	s29 =	sshrl.u32 s1, $0x2;
	s6 =	sshll.u32 s1, $0x8  }
0x7: {  	v5 =	vimm.s32 $0x32107654;
	v6 =	vimm.s32 $0xFEDCBA98;
	s2 =	simm.s32 $0x0;
	s7 =	sor.u32 $0xC, s29;
	s8 =	sshll.u32 s5, $0x7  }
0x8: {  	v7 =	vimm.s32 $0x76543210;
	vm0 =	vmmov $0x1;
	v0 =	vunpack.c.l.s4.s8 v0;
	s9 =	sand.u32 $0x300, s6;
	[smem:$0x7FF] =	sst s2;
	s6 =	sand.u32 $0xC00, s6  }
0x9: {  	v1 =	vunpack.c.l.s4.s8 v1;
	v2 =	vunpack.c.l.s4.s8 v2;
	v3 =	vunpack.c.l.s4.s8 v3;
	s5 =	ssub.s32 $0x2, s5;
	s10 =	sshll.u32 s7, $0x12;
	s8 =	sor.u32 s8, s9  }
0xa: {  	v4 =	vunpack.c.l.s4.s8 v4;
	v5 =	vunpack.c.l.s4.s8 v5;
	v6 =	vunpack.c.l.s4.s8 v6;
	_ =	strace $0x80000047;
	s7 =	sshll.u32 s7, $0x14;
	s30 =	sshrl.u32 s5, $0x1  }
0xb: {  	v0 =	vunpack.c.0.s8.s32 v0;
	v1 =	vunpack.c.0.s8.s32 v1;
	v2 =	vunpack.c.0.s8.s32 v2;
	s9 =	sor.u32 s8, s10;
	s6 =	sor.u32 s6, s8;
	s7 =	sor.u32 s8, s7  }
0xc: {  	v3 =	vunpack.c.0.s8.s32 v3;
	v4 =	vunpack.c.0.s8.s32 v4;
	v5 =	vunpack.c.0.s8.s32 v5;
	s14 =	ssub.s32 s5, s30;
	s9 =	sshrl.u32 s9, $0x3;
	s6 =	sshrl.u32 s6, $0x3  }
0xd: {  	vm1 =	vcmask $0x310;
	s31 =	sshrl.u32 s7, $0x3;
	v0 =	vcombine.low v1, v0;
	v1 =	vunpack.c.l.s4.s8 v7;
	s14 =	smax.u32 s14, $0x1;
	s9 =	sadd.s32 s9, s3  }
0xe: {  	v2 =	vcombine.low v3, v2;
	v3 =	vcombine.low v5, v4;
	v4 =	vunpack.c.0.s8.s32 v6;
	s13 =	sadd.s32 s6, s3;
	s4 =	sadd.s32 s4, s31;
	s3 =	sadd.s32 $0x1400, s9  }
0xf: {  	vm2 =	vcmask $0x710;
	vm3 =	vcmask $0xB10;
	s5 =	sadd.s32 $0x8000, s4;
	s6 =	sadd.s32 $0x10000, s4;
	s7 =	sadd.s32 $0x18000, s4;
	v5 =	vunpack.c.0.s8.s32 v1  }
0x10: {  	s8 =	sadd.s32 $0x5400, s9;
	s9 =	sadd.s32 $0x4000, s4;
	s10 =	sadd.s32 $0xC000, s4;
	v1 =	vand.u32 $0xF, v2;
	v2 =	vand.u32 $0xF, v3;
	v3 =	vand.u32 $0xF, v4  }
0x11: {  	v0 =	vand.u32 $0xF, v0;
	s11 =	sadd.s32 $0x14000, s4;
	s12 =	sadd.s32 $0x1C000, s4;
	s13 =	sadd.s32 $0x81400, s13;
	v4 =	vlaneseq.u32;
	v3 =	vcombine.low v3, v5  }
.LBB2_1:
0x12: {  	s20 =	simm.s32 $0x10000  }
0x13: {  	[tilespmem:s20], [sflag:$0x1] =	stream.strided.gather [hbm4b:s3+s15], $0x4000, s16, s15, $0x38;
	[tilespmem:$0x14080] =	vst v63  }
0x14: {  	_ =	swait.ge [sflag:s17], $0x4000  }
0x15: {  	[sflag:s17] =	ssyncset.done $0x0  }
0x16: {  	[sflag:s17] =	ssyncadd.s32 $0xFFFFC000  }
0x17: {  	[tilespmem:s2], [sflag:$0x1] =	stream.strided.gather [hbm4b:s4+s15], $0x4000, s16, s15, $0x38;
	[tilespmem:$0x14080] =	vst v63  }
0x18: {  	_ =	swait.ge [sflag:s17], $0x4000  }
0x19: {  	[sflag:s17] =	ssyncset.done $0x0  }
0x1a: {  	s21 =	simm.s32 $0x4000;
	[sflag:s17] =	ssyncadd.s32 $0xFFFFC000  }
0x1b: {  	[tilespmem:s21], [sflag:$0x1] =	stream.strided.gather [hbm4b:s5+s15], $0x4000, s16, s15, $0x38;
	[tilespmem:$0x14080] =	vst v63  }
0x1c: {  	_ =	swait.ge [sflag:s17], $0x4000  }
0x1d: {  	[sflag:s17] =	ssyncset.done $0x0  }
0x1e: {  	s22 =	simm.s32 $0x8000;
	[sflag:s17] =	ssyncadd.s32 $0xFFFFC000  }
0x1f: {  	[tilespmem:s22], [sflag:$0x1] =	stream.strided.gather [hbm4b:s6+s15], $0x4000, s16, s15, $0x38;
	[tilespmem:$0x14080] =	vst v63  }
0x20: {  	_ =	swait.ge [sflag:s17], $0x4000  }
0x21: {  	[sflag:s17] =	ssyncset.done $0x0  }
0x22: {  	s23 =	simm.s32 $0xC000;
	[sflag:s17] =	ssyncadd.s32 $0xFFFFC000  }
0x23: {  	[tilespmem:s23], [sflag:$0x1] =	stream.strided.gather [hbm4b:s7+s15], $0x4000, s16, s15, $0x38;
	[tilespmem:$0x14080] =	vst v63  }
0x24: {  	_ =	swait.ge [sflag:s17], $0x4000  }
0x25: {  	[sflag:s17] =	ssyncset.done $0x0  }
0x26: {  	[sflag:s17] =	ssyncadd.s32 $0xFFFFC000  }
0x27: {  	v6 =	vld [tilespmem:s20+$0x0]  }
0x28: {  	v5 =	vld [tilespmem:s2+$0x0]  }
0x29: {  	v7 =	vld [tilespmem:s21+$0x0]  }
0x2a: {  	v11 =	vld [tilespmem:s22+$0x0]  }
0x2b: {  	v12 =	vld [tilespmem:s23+$0x0]  }
0x2c: {  	s31 =	simm.s32 $0x10010  }
0x2d: {  	v8 =	vimm.f32 $-Inf;
	v9 =	vld [tilespmem:s31+$0x0];
	s20 =	simm.s32 $0x10  }
0x2e: {  	v16 =	vimm.f32 $-Inf;
	v18 =	vimm.f32 $-Inf;
	s23 =	simm.s32 $0x4010;
	v10 =	vld [tilespmem:s20+$0x0];
	v13 =	vadd.f32 v5, v6  }
0x2f: {  	s24 =	simm.s32 $0x8010;
	v17 =	vimm.s32 $0x0;
	v14 =	vadd.f32 v7, v6;
	v19 =	vadd.f32 v11, v6;
	v11 =	vld [tilespmem:s23+$0x0]  }
0x30: {  	s25 =	simm.s32 $0xC010;
	v15 =	vimm.s32 $0x0;
	v20 =	vadd.f32 v12, v6;
	v12 =	vld [tilespmem:s24+$0x0];
	vm4 =	vgt.f32 v13, v8  }
0x31: {  	s26 =	simm.s32 $0x2;
	v5 =	vimm.s32 $0x0;
	vm5 =	vgt.f32 v14, v8;
	v6 =	vsel vm4, v13, v8;
	v13 =	vld [tilespmem:s25+$0x0]  }
0x32: {  	s28 =	simm.s32 $0x10020;
	s21 =	simm.s32 $0x1;
	s22 =	simm.s32 $0x0;
	vm6 =	vgt.f32 v19, v8;
	v7 =	vsel vm4, s2, v5;
	vm4 =	vgt.f32 v20, v8  }
.LBB2_2:
0x33: {  	v21 =	vld [tilespmem:s28+$0x0];
	s20 =	sadd.s32 $0x10, s20;
	v8 =	vsel vm5, v14, v8;
	v16 =	vsel vm6, v19, v16;
	v18 =	vsel vm4, v20, v18;
	p0 =	sne.s32 s26, $0x3FF  }
.Ltmp0:
0x34: {  	v22 =	vadd.f32 v10, v9;
	s23 =	sadd.s32 $0x10, s23;
	v5 =	vsel vm5, s22, v5;
	v17 =	vsel vm6, s22, v17;
	v10 =	vld [tilespmem:s20+$0x0];
	(pc) =	sbr.rel @p0 .LBB2_2-.Ltmp0, $4  }
0x35: {  	s24 =	sadd.s32 $0x10, s24;
	v15 =	vsel vm4, s22, v15;
	s22 =	smov.u32 s21;
	s21 =	smov.u32 s26;
	v14 =	vadd.f32 v11, v9;
	v11 =	vld [tilespmem:s23+$0x0]  }
0x36: {  	s25 =	sadd.s32 $0x10, s25;
	vm4 =	vgt.f32 v22, v6;
	v19 =	vadd.f32 v12, v9;
	v12 =	vld [tilespmem:s24+$0x0];
	v20 =	vadd.f32 v13, v9  }
0x37: {  	s26 =	sadd.s32 $0x1, s26;
	v6 =	vsel vm4, v22, v6;
	v7 =	vsel vm4, s22, v7;
	v13 =	vld [tilespmem:s25+$0x0]  }
0x38: {  	s28 =	sadd.s32 $0x10, s28;
	vm5 =	vgt.f32 v14, v8;
	vm6 =	vgt.f32 v19, v16;
	vm4 =	vgt.f32 v20, v18;
	v9 =	vmovc v21  }
0x39: {  	s20 =	simm.s32 $0x400;
	s23 =	simm.s32 $0x10000  }
0x3a: {  	[tilespmem:s23], [sflag:$0x1] =	stream.strided.gather [hbm4b:s8+s15], $0x4000, s20, s15, $0x38;
	[tilespmem:$0x14080] =	vst v63  }
0x3b: {  	_ =	swait.ge [sflag:s17], $0x4000  }
0x3c: {  	[sflag:s17] =	ssyncset.done $0x0  }
0x3d: {  	s24 =	simm.s32 $0x0;
	[sflag:s17] =	ssyncadd.s32 $0xFFFFC000  }
0x3e: {  	[tilespmem:s24], [sflag:$0x1] =	stream.strided.gather [hbm4b:s9+s15], $0x4000, s20, s15, $0x38;
	[tilespmem:$0x14080] =	vst v63  }
0x3f: {  	_ =	swait.ge [sflag:s17], $0x4000  }
0x40: {  	[sflag:s17] =	ssyncset.done $0x0  }
0x41: {  	s25 =	simm.s32 $0x4000;
	[sflag:s17] =	ssyncadd.s32 $0xFFFFC000  }
0x42: {  	[tilespmem:s25], [sflag:$0x1] =	stream.strided.gather [hbm4b:s10+s15], $0x4000, s20, s15, $0x38;
	[tilespmem:$0x14080] =	vst v63  }
0x43: {  	_ =	swait.ge [sflag:s17], $0x4000  }
0x44: {  	[sflag:s17] =	ssyncset.done $0x0  }
0x45: {  	s26 =	simm.s32 $0x8000;
	[sflag:s17] =	ssyncadd.s32 $0xFFFFC000  }
0x46: {  	[tilespmem:s26], [sflag:$0x1] =	stream.strided.gather [hbm4b:s11+s15], $0x4000, s20, s15, $0x38;
	[tilespmem:$0x14080] =	vst v63  }
0x47: {  	_ =	swait.ge [sflag:s17], $0x4000  }
0x48: {  	[sflag:s17] =	ssyncset.done $0x0  }
0x49: {  	s28 =	simm.s32 $0xC000;
	[sflag:s17] =	ssyncadd.s32 $0xFFFFC000  }
0x4a: {  	[tilespmem:s28], [sflag:$0x1] =	stream.strided.gather [hbm4b:s12+s15], $0x4000, s20, s15, $0x38;
	[tilespmem:$0x14080] =	vst v63  }
0x4b: {  	_ =	swait.ge [sflag:s17], $0x4000  }
0x4c: {  	[sflag:s17] =	ssyncset.done $0x0  }
0x4d: {  	[sflag:s17] =	ssyncadd.s32 $0xFFFFC000  }
0x4e: {  	v21 =	vld [tilespmem:s23+$0x0]  }
0x4f: {  	v8 =	vsel vm5, v14, v8;
	v14 =	vsel vm6, v19, v16;
	v16 =	vld [tilespmem:s24+$0x0]  }
0x50: {  	v18 =	vsel vm4, v20, v18;
	v10 =	vadd.f32 v10, v9;
	v19 =	vsel vm5, s22, v5;
	v20 =	vld [tilespmem:s25+$0x0]  }
0x51: {  	v17 =	vsel vm6, s22, v17;
	v22 =	vsel vm4, s22, v15;
	v5 =	vadd.f32 v11, v9;
	v23 =	vld [tilespmem:s26+$0x0]  }
0x52: {  	vm4 =	vgt.f32 v10, v6;
	v11 =	vadd.f32 v12, v9;
	v9 =	vadd.f32 v13, v9;
	v12 =	vld [tilespmem:s28+$0x0]  }
0x53: {  	s31 =	simm.s32 $0x10010;
	v24 =	vsel vm4, v10, v6;
	v25 =	vsel vm4, s21, v7;
	vm4 =	vgt.f32 v5, v8  }
0x54: {  	s22 =	simm.s32 $0x10;
	vm5 =	vgt.f32 v11, v14;
	v6 =	vsel vm4, v5, v8;
	vm6 =	vgt.f32 v9, v18;
	v10 =	vld [tilespmem:s31+$0x0]  }
0x55: {  	v7 =	vsel vm5, v11, v14;
	v8 =	vsel vm5, s21, v17;
	v15 =	vld [tilespmem:s22+$0x0];
	s23 =	simm.s32 $0x4010;
	v16 =	vadd.f32 v16, v21  }
0x56: {  	v5 =	vsel vm6, v9, v18;
	v9 =	vsel vm4, s21, v19;
	s24 =	simm.s32 $0x8010;
	v11 =	vld [tilespmem:s23+$0x0];
	v17 =	vadd.f32 v20, v21  }
0x57: {  	s25 =	simm.s32 $0xC010;
	v14 =	vld [tilespmem:s24+$0x0];
	v19 =	vadd.f32 v23, v21;
	v20 =	vadd.f32 v12, v21;
	vm4 =	vgt.f32 v16, v24  }
0x58: {  	v13 =	vsel vm6, s21, v22;
	vm6 =	vgt.f32 v17, v6;
	v18 =	vsel vm4, v16, v24;
	v16 =	vld [tilespmem:s25+$0x0]  }
0x59: {  	s21 =	simm.s32 $0x401;
	s26 =	simm.s32 $0x402;
	s28 =	simm.s32 $0x10020;
	vm5 =	vgt.f32 v19, v7;
	v12 =	vsel vm4, s20, v25;
	vm4 =	vgt.f32 v20, v5  }
.LBB2_4:
0x5a: {  	v21 =	vld [tilespmem:s28+$0x0];
	s22 =	sadd.s32 $0x10, s22;
	v6 =	vsel vm6, v17, v6;
	v7 =	vsel vm5, v19, v7;
	v5 =	vsel vm4, v20, v5;
	p0 =	sne.s32 s26, $0x7FF  }
.Ltmp1:
0x5b: {  	v22 =	vadd.f32 v15, v10;
	s23 =	sadd.s32 $0x10, s23;
	v9 =	vsel vm6, s20, v9;
	v8 =	vsel vm5, s20, v8;
	v15 =	vld [tilespmem:s22+$0x0];
	(pc) =	sbr.rel @p0 .LBB2_4-.Ltmp1, $4  }
0x5c: {  	s24 =	sadd.s32 $0x10, s24;
	v13 =	vsel vm4, s20, v13;
	s20 =	smov.u32 s21;
	s21 =	smov.u32 s26;
	v17 =	vadd.f32 v11, v10;
	v11 =	vld [tilespmem:s23+$0x0]  }
0x5d: {  	s25 =	sadd.s32 $0x10, s25;
	vm4 =	vgt.f32 v22, v18;
	v19 =	vadd.f32 v14, v10;
	v14 =	vld [tilespmem:s24+$0x0];
	v20 =	vadd.f32 v16, v10  }
0x5e: {  	s26 =	sadd.s32 $0x1, s26;
	v18 =	vsel vm4, v22, v18;
	v12 =	vsel vm4, s20, v12;
	v16 =	vld [tilespmem:s25+$0x0]  }
0x5f: {  	s28 =	sadd.s32 $0x10, s28;
	vm6 =	vgt.f32 v17, v6;
	vm5 =	vgt.f32 v19, v7;
	vm4 =	vgt.f32 v20, v5;
	v10 =	vmovc v21  }
0x60: {  	v15 =	vadd.f32 v15, v10;
	_ =	sdelay $0x1  }
0x61: {  	vm7 =	vgt.f32 v15, v18  }
0x62: {  	v6 =	vsel vm6, v17, v6;
	v9 =	vsel vm6, s20, v9;
	v15 =	vsel vm7, v15, v18  }
0x63: {  	v7 =	vsel vm5, v19, v7;
	v5 =	vsel vm4, v20, v5;
	v18 =	vperm.xlane v15, v0  }
0x64: {  	v8 =	vsel vm5, s20, v8;
	v13 =	vsel vm4, s20, v13;
	v11 =	vadd.f32 v11, v10  }
0x65: {  	v14 =	vadd.f32 v14, v10;
	v42 =	vadd.f32 v16, v10;
	v41 =	vmax.f32 v15, v18  }
0x66: {  	vm4 =	vgt.f32 v11, v6;
	v12 =	vsel vm7, s21, v12;
	v18 =	vperm.xlane v41, v1  }
0x67: {  	v6 =	vsel vm4, v11, v6;
	vm5 =	vgt.f32 v14, v7;
	v9 =	vsel vm4, s21, v9  }
0x68: {  	v12 =	vshll.u32 v12, $0x4;
	v45 =	vperm.xlane v6, v0;
	v43 =	vmax.f32 v41, v18  }
0x69: {  	vm15 =	vgt.f32 v42, v5;
	v7 =	vsel vm5, v14, v7;
	v44 =	vperm.xlane v43, v2  }
0x6a: {  	v8 =	vsel vm5, s21, v8;
	v49 =	vperm.xlane v7, v0;
	v47 =	vmax.f32 v6, v45  }
0x6b: {  	v5 =	vsel vm15, v42, v5;
	v48 =	vperm.xlane v47, v1;
	v46 =	vmax.f32 v43, v44  }
0x6c: {  	v50 =	vperm.xlane v5, v0;
	v51 =	vmax.f32 v7, v49;
	v11 =	vperm.xlane v46, v3  }
0x6d: {  	v12 =	vor.u32 v4, v12;
	v53 =	vperm.xlane v51, v1;
	v14 =	vmax.f32 v47, v48  }
0x6e: {  	v52 =	vperm.xlane v14, v2;
	v10 =	vmax.f32 v46, v11;
	v11 =	vmax.f32 v5, v50  }
0x6f: {  	v9 =	vshll.u32 v9, $0x4;
	v55 =	vmax.f32 v51, v53;
	v54 =	vperm.xlane v11, v1  }
0x70: {  	v13 =	vsel vm15, s21, v13;
	v57 =	vperm.xlane v55, v2;
	v14 =	vmax.f32 v14, v52  }
0x71: {  	v56 =	vperm.xlane v14, v3;
	vm4 =	veq.f32 v15, v10;
	v10 =	vmax.f32 v11, v54  }
0x72: {  	v9 =	vor.u32 v4, v9;
	v8 =	vshll.u32 v8, $0x4;
	v59 =	vperm.xlane v10, v2  }
0x73: {  	v14 =	vmax.f32 v14, v56;
	v15 =	vmax.f32 v55, v57;
	v12 =	vnsel vm4, $0x8000, v12  }
0x74: {  	vm4 =	veq.f32 v6, v14;
	v6 =	vperm.xlane v15, v3;
	v10 =	vmax.f32 v10, v59  }
0x75: {  	v8 =	vor.u32 v4, v8;
	v9 =	vnsel vm4, $0x8000, v9;
	v60 =	vperm.xlane v10, v3  }
0x76: {  	v58 =	vperm.xlane v12, v0;
	v61 =	vperm.xlane v9, v0;
	v6 =	vmax.f32 v15, v6  }
0x77: {  	vm4 =	veq.f32 v7, v6;
	v7 =	vshll.u32 v13, $0x4;
	v6 =	vmax.f32 v10, v60  }
0x78: {  	v8 =	vnsel vm4, $0x8000, v8;
	v7 =	vor.u32 v4, v7;
	vm4 =	veq.f32 v5, v6  }
0x79: {  	vm5 =	vlt.s32 v12, v58;
	v5 =	vperm.xlane v8, v0;
	v6 =	vnsel vm4, $0x8000, v7  }
0x7a: {  	v7 =	vsel vm5, v12, v58;
	vm4 =	vlt.s32 v9, v61;
	v62 =	vperm.xlane v6, v0  }
0x7b: {  	v11 =	vperm.xlane v7, v1;
	v9 =	vsel vm4, v9, v61;
	vm4 =	vlt.s32 v8, v5  }
0x7c: {  	v63 =	vperm.xlane v9, v1;
	v5 =	vsel vm4, v8, v5;
	vm4 =	vlt.s32 v6, v62  }
0x7d: {  	vm5 =	vlt.s32 v7, v11;
	v8 =	vperm.xlane v5, v1;
	v6 =	vsel vm4, v6, v62  }
0x7e: {  	v7 =	vsel vm5, v7, v11;
	vm4 =	vlt.s32 v9, v63;
	v10 =	vperm.xlane v6, v1  }
0x7f: {  	v11 =	vperm.xlane v7, v2;
	v9 =	vsel vm4, v9, v63;
	vm4 =	vlt.s32 v5, v8  }
0x80: {  	v12 =	vperm.xlane v9, v2;
	v5 =	vsel vm4, v5, v8;
	vm4 =	vlt.s32 v6, v10  }
0x81: {  	vm5 =	vlt.s32 v7, v11;
	v8 =	vperm.xlane v5, v2;
	v6 =	vsel vm4, v6, v10  }
0x82: {  	v7 =	vsel vm5, v7, v11;
	vm4 =	vlt.s32 v9, v12;
	v10 =	vperm.xlane v6, v2  }
0x83: {  	v11 =	vperm.xlane v7, v3;
	v9 =	vsel vm4, v9, v12;
	vm4 =	vlt.s32 v5, v8  }
0x84: {  	v12 =	vperm.xlane v9, v3;
	v5 =	vsel vm4, v5, v8;
	vm4 =	vlt.s32 v6, v10  }
0x85: {  	vm5 =	vlt.s32 v7, v11;
	v8 =	vperm.xlane v5, v3;
	v6 =	vsel vm4, v6, v10  }
0x86: {  	v7 =	vsel vm5, v7, v11;
	vm4 =	vlt.s32 v9, v12;
	v10 =	vperm.xlane v6, v3  }
0x87: {  	v7 =	vnsel vm0, $0x0, v7;
	v9 =	vsel vm4, v9, v12;
	vm4 =	vlt.s32 v5, v8  }
0x88: {  	v7 =	vsel vm1, v7, v9;
	v5 =	vsel vm4, v5, v8;
	vm4 =	vlt.s32 v6, v10  }
0x89: {  	s19 =	sadd.s32 $0x1, s19;
	v5 =	vsel vm2, v7, v5;
	v6 =	vsel vm4, v6, v10  }
0x8a: {  	p0 =	sne.s32 s19, s14;
	v5 =	vsel vm3, v5, v6  }
.Ltmp2:
0x8b: {  	[tilespmem:$0x14000] =	vst v5;
	(pc) =	sbr.rel @p0 .LBB2_1-.Ltmp2, $4  }
0x8c: {  	[hbm4b:s13+s2] =	stream.linear.scatter [tilespmem:s18], [sflag:$0x1], $0x80, $0x38;
	[tilespmem:$0x14080] =	vst v63  }
0x8d: {  	_ =	swait.ge [sflag:s17], $0x80  }
0x8e: {  	[sflag:s17] =	ssyncset.done $0x0  }
0x8f: {  	[sflag:s17] =	ssyncadd.s32 $0xFFFFFF80  }
0x90: {  	_ =	sfence.sel $0x180000  }
0x91: {  	[bflag:$0x0] =	sbarrier.arrive $0xFFFF  }
0x92: {  	p0 =	sne.s32 s1, $0x0;
	_ =	strace $0x90000047  }
0x93: {  	s0 =	sadd.s32 @!p0 $0x100000, s0;
	[bflag:$0x2] =	sbarrier.arrive $0xFFFF  }
0x94: {  	[sflag:s0] =	ssyncadd.tile.s32 @!p0 $0x1;
	_ =	shalt  }
.Lfunc_end2:
_tile_overlayer_lowered:
.L_overlay_start_2:
0x95: {  	(tag) =	ssettag $0x2  }
0x96: {  	s0 =	rddreg [dreg:$0x0];
	s2 =	stileid.u32  }
0x97: {  	s1 =	rddreg [dreg:$0x1];
	p0 =	sne.s32 s2, $0x0  }
0x98: {  	s3 =	rddreg [dreg:$0x2];
	[bflag:$0x3] =	sbarrier.arrive $0xFFFF;
	s2 =	simm.s32 @!p0 $0x1C01  }
0x99: {  	[timem:s3], [sflag:s2] =	dma.local @!p0 [hbm:s0], s1  }
0x9a: {  	s0 =	simm.s32 @!p0 $0x1  }
0x9b: {  	_ =	swait.ge @!p0 [sflag:s0], s1  }
0x9c: {  	s1 =	ssub.s32 @!p0 $0x0, s1;
	[sflag:s0] =	ssyncset.done @!p0 $0x0  }
0x9d: {  	[sflag:s0] =	ssyncadd.s32 @!p0 s1  }
0x9e: {  	[bflag:$0x3] =	sbarrier.arrive $0xFFFF  }
0x9f: {  	_ =	shalt  }

</sc_bundles>
